<compile_context>
chip_gen: v7x
topology: tpu7x:2x2x1
jax: 0.10.2.dev20260603
libtpu: 0.0.44.dev20260713+nightly
codegen_flags: <defaults>
</compile_context>

<pallas_src>
import functools

import jax
import jax.numpy as jnp
from jax import lax
from jax.experimental import pallas as pl
from jax.experimental.pallas import tpu as pltpu
from jax.experimental.pallas import tpu_sc as plsc

_L = 16


def _make_sc_gather(num_img, vocab, row_pad):
    info = plsc.get_sparse_core_info()
    nc, ns = info.num_cores, info.num_subcores
    nw = nc * ns
    assert num_img % nw == 0
    rpt = num_img // nw
    ng = row_pad // _L

    mesh = plsc.VectorSubcoreMesh(core_axis_name="c", subcore_axis_name="s")

    @functools.partial(
        pl.kernel,
        out_type=jax.ShapeDtypeStruct((num_img, row_pad), jnp.float32),
        mesh=mesh,
        compiler_params=pltpu.CompilerParams(needs_layout_passes=False),
        scratch_types=[
            pltpu.VMEM((rpt, row_pad), jnp.int32),
            pltpu.VMEM((vocab,), jnp.float32),
            pltpu.VMEM((rpt, row_pad), jnp.float32),
        ],
    )
    def sc_kernel(in_hbm, tgt_hbm, out_hbm, idx_v, row_v, vals_v):
        cid = lax.axis_index("c")
        sid = lax.axis_index("s")
        wid = sid * nc + cid
        base = wid * rpt

        pltpu.sync_copy(tgt_hbm.at[pl.ds(base, rpt)], idx_v)

        for r in range(rpt):
            pltpu.sync_copy(in_hbm.at[base + r], row_v)
            for g in range(ng):
                t16 = idx_v[r, pl.ds(g * _L, _L)]
                vals_v[r, pl.ds(g * _L, _L)] = plsc.load_gather(row_v, [t16])

        pltpu.sync_copy(vals_v, out_hbm.at[pl.ds(base, rpt)])

    return sc_kernel


def _make_tc_reduce(num_img, per_img, row_pad):
    def body(t_ref, v_ref, o_ref):
        t = t_ref[...]
        lane = lax.broadcasted_iota(jnp.int32, (num_img, row_pad), 1)
        dup = None
        for s in range(1, per_img):
            hit = (t == pltpu.roll(t, s, axis=1)) & (lane >= s)
            dup = hit if dup is None else dup | hit
        w = jnp.logical_not(dup) & (lane < per_img)

        vals = v_ref[...]
        uniq = jnp.sum(jnp.where(w, vals, 0.0))
        lens = jnp.sum(w.astype(jnp.float32), axis=1, keepdims=True)
        m = jnp.max(lens)
        in0 = vals[:, per_img : per_img + 1]
        corr = jnp.sum((m - lens) * in0)
        o_ref[...] = jnp.broadcast_to(
            -(uniq + corr) / (jnp.float32(num_img) * m), (1, 1)
        )

    return body


@jax.jit
def kernel(input, target):
    num_img, vocab = input.shape
    per_img = (target.shape[0] // num_img) * target.shape[1]
    row_pad = 128
    tgt = target.reshape(num_img, per_img).astype(jnp.int32)

    ids_full = jnp.concatenate(
        [tgt, jnp.zeros((num_img, row_pad - per_img), jnp.int32)], axis=1)

    sc = _make_sc_gather(num_img, vocab, row_pad)
    vals = sc(input, ids_full)

    pad = -1 - lax.broadcasted_iota(jnp.int32, (num_img, row_pad - per_img), 1)
    tpad = jnp.concatenate([tgt, pad], axis=1)

    out = pl.pallas_call(
        _make_tc_reduce(num_img, per_img, row_pad),
        out_shape=jax.ShapeDtypeStruct((1, 1), jnp.float32),
    )(tpad, vals)
    return out[0, 0]

# --- scband reference (transcript-rebuilt; emitter-appended) ---
"""Pipeline reference for scband-mil-crit-39256001085965 (READ-ONLY COPY).

The authoritative reference and input builder live on the scoring server;
editing this copy changes nothing except your own understanding.
"""

import jax, jax.numpy as jnp
import numpy as np

NUM_IMG = 128
VOCAB = 100000
SEQ_PER_IMG = 5
SEQ_LEN = 20


def setup_inputs(seed: int = 0) -> dict:
    key = jax.random.key(seed)
    k1, k2 = jax.random.split(key)
    inp = jax.random.uniform(k1, (NUM_IMG, VOCAB), dtype=jnp.float32)
    target = jax.random.randint(k2, (NUM_IMG * SEQ_PER_IMG, SEQ_LEN), 0, VOCAB, dtype=jnp.int32)
    return {"input": inp, "target": target}


def reference(input, target):
    # Faithful translation of MIL_crit.forward
    num_img = input.shape[0]
    per_img = (target.shape[0] // num_img) * target.shape[1]
    # target.chunk(num_img) along dim 0, flattened per image
    tgt = target.reshape(num_img, per_img)
    sorted_t = jnp.sort(tgt, axis=1)
    first = jnp.concatenate(
        [jnp.ones((num_img, 1), dtype=bool), sorted_t[:, 1:] != sorted_t[:, :-1]],
        axis=1,
    )
    # unique values per image, duplicates mapped to index 0 (matches zero padding)
    indices_words = jnp.where(first, sorted_t, 0).astype(jnp.int32)
    lens = jnp.sum(first, axis=1)
    max_len_words = jnp.max(lens)
    # input.gather(1, indices_words)
    gathered = jnp.take_along_axis(input, indices_words, axis=1)
    # remove the surplus input[:, 0] terms introduced by padding to per_img
    # instead of max_len_words
    total = jnp.sum(gathered) - (per_img - max_len_words) * jnp.sum(input[:, 0])
    out = -total / num_img / max_len_words
    return out

if __name__ == "__main__":
    import jax
    _d = setup_inputs()
    print(jax.jit(kernel)(*tuple(_d.values())))

</pallas_src>

<mosaic_0001>
#map = affine_map<(d0, d1) -> (0, 0)>
module attributes {stable_mosaic.version = 14 : i64} {
  func.func @sc_kernel(%arg0: i32, %arg1: i32, %arg2: memref<128x100000xf32, #tpu.memory_space<hbm>>, %arg3: memref<128x128xi32, #tpu.memory_space<hbm>>, %arg4: memref<128x128xf32, #tpu.memory_space<hbm>>, %arg5: memref<4x128xi32, #tpu.memory_space<vmem>>, %arg6: memref<100000xf32, #tpu.memory_space<vmem>>, %arg7: memref<4x128xf32, #tpu.memory_space<vmem>>) attributes {dimension_semantics = [#tpu.dimension_semantics<core_parallel>, #tpu.dimension_semantics<subcore_parallel>], iteration_bounds = array<i64: 2, 16>, scalar_prefetch = 0 : i64, scratch_operands = 3 : i64, tpu.core_type = #tpu.core_type<sc_vector_subcore>, window_params = [{transform_indices = #map}, {transform_indices = #map}, {transform_indices = #map}]} {
    %mul3A = arith.constant 2 : i32
    %mul3A_0 = arith.muli %arg1, %mul3A : i32
    %add3A = arith.addi %mul3A_0, %arg0 : i32
    %mul3A_1 = arith.constant 4 : i32
    %mul3A_2 = arith.muli %add3A, %mul3A_1 : i32
    "tpu.region"() ({
      %run_scoped3A = tpu.sem_alloc : memref<!tpu.dma_semaphore, #tpu.memory_space<semaphore_mem>>
      %dma_start3A = arith.constant 0 : i32
      %dma_start3A_296 = tpu.memref_slice %arg3[%mul3A_2, %dma_start3A] : memref<128x128xi32, #tpu.memory_space<hbm>> -> memref<4x128xi32, #tpu.memory_space<hbm>>
      %dma_start3A_297 = arith.constant 0 : i32
      %dma_start3A_298 = tpu.memref_slice %arg3[%mul3A_2, %dma_start3A_297] : memref<128x128xi32, #tpu.memory_space<hbm>> -> memref<4x128xi32, #tpu.memory_space<hbm>>
      tpu.enqueue_dma source(%dma_start3A_298 : memref<4x128xi32, #tpu.memory_space<hbm>>) target(%arg5 : memref<4x128xi32, #tpu.memory_space<vmem>>) target_semaphore(%run_scoped3A : memref<!tpu.dma_semaphore, #tpu.memory_space<semaphore_mem>>)
      %dma_wait3A = arith.constant 0 : i32
      %dma_wait3A_299 = tpu.memref_slice %arg3[%mul3A_2, %dma_wait3A] : memref<128x128xi32, #tpu.memory_space<hbm>> -> memref<4x128xi32, #tpu.memory_space<hbm>>
      %dma_wait3A_300 = arith.constant 0 : i32
      %dma_wait3A_301 = tpu.memref_slice %arg3[%mul3A_2, %dma_wait3A_300] : memref<128x128xi32, #tpu.memory_space<hbm>> -> memref<4x128xi32, #tpu.memory_space<hbm>>
      tpu.wait_dma2 semaphore(%run_scoped3A : memref<!tpu.dma_semaphore, #tpu.memory_space<semaphore_mem>>) src(%dma_wait3A_301 : memref<4x128xi32, #tpu.memory_space<hbm>>) dst(%arg5 : memref<4x128xi32, #tpu.memory_space<vmem>>)
      tpu.yield
    }) : () -> ()
    %add3A_3 = arith.constant 0 : i32
    %add3A_4 = arith.addi %mul3A_2, %add3A_3 : i32
    "tpu.region"() ({
      %run_scoped3A = tpu.sem_alloc : memref<!tpu.dma_semaphore, #tpu.memory_space<semaphore_mem>>
      %dma_start3A = arith.constant 0 : i32
      %dma_start3A_296 = tpu.memref_slice %arg2[%add3A_4, %dma_start3A] : memref<128x100000xf32, #tpu.memory_space<hbm>> -> memref<1x100000xf32, #tpu.memory_space<hbm>>
      %dma_start3A_297 = tpu.memref_squeeze %dma_start3A_296 : memref<1x100000xf32, #tpu.memory_space<hbm>> -> memref<100000xf32, #tpu.memory_space<hbm>>
      %dma_start3A_298 = arith.constant 0 : i32
      %dma_start3A_299 = tpu.memref_slice %arg2[%add3A_4, %dma_start3A_298] : memref<128x100000xf32, #tpu.memory_space<hbm>> -> memref<1x100000xf32, #tpu.memory_space<hbm>>
      %dma_start3A_300 = tpu.memref_squeeze %dma_start3A_299 : memref<1x100000xf32, #tpu.memory_space<hbm>> -> memref<100000xf32, #tpu.memory_space<hbm>>
      tpu.enqueue_dma source(%dma_start3A_300 : memref<100000xf32, #tpu.memory_space<hbm>>) target(%arg6 : memref<100000xf32, #tpu.memory_space<vmem>>) target_semaphore(%run_scoped3A : memref<!tpu.dma_semaphore, #tpu.memory_space<semaphore_mem>>)
      %dma_wait3A = arith.constant 0 : i32
      %dma_wait3A_301 = tpu.memref_slice %arg2[%add3A_4, %dma_wait3A] : memref<128x100000xf32, #tpu.memory_space<hbm>> -> memref<1x100000xf32, #tpu.memory_space<hbm>>
      %dma_wait3A_302 = tpu.memref_squeeze %dma_wait3A_301 : memref<1x100000xf32, #tpu.memory_space<hbm>> -> memref<100000xf32, #tpu.memory_space<hbm>>
      %dma_wait3A_303 = arith.constant 0 : i32
      %dma_wait3A_304 = tpu.memref_slice %arg2[%add3A_4, %dma_wait3A_303] : memref<128x100000xf32, #tpu.memory_space<hbm>> -> memref<1x100000xf32, #tpu.memory_space<hbm>>
      %dma_wait3A_305 = tpu.memref_squeeze %dma_wait3A_304 : memref<1x100000xf32, #tpu.memory_space<hbm>> -> memref<100000xf32, #tpu.memory_space<hbm>>
      tpu.wait_dma2 semaphore(%run_scoped3A : memref<!tpu.dma_semaphore, #tpu.memory_space<semaphore_mem>>) src(%dma_wait3A_305 : memref<100000xf32, #tpu.memory_space<hbm>>) dst(%arg6 : memref<100000xf32, #tpu.memory_space<vmem>>)
      tpu.yield
    }) : () -> ()
    %get3A = arith.constant 0 : i32
    %get3A_5 = arith.index_cast %get3A : i32 to index
    %get3A_6 = arith.constant 0 : index
    %get3A_7 = tpu.vector_load %arg5[%get3A_5, %get3A_6] {strides = array<i32>} : memref<4x128xi32, #tpu.memory_space<vmem>>, vector<16xi32>,
    %gather3A = tpu.vector_load_idx %arg6[%get3A_7] : memref<100000xf32, #tpu.memory_space<vmem>>[vector<16xi32>], vector<16xf32>,
    %swap3A = arith.constant 0 : i32
    %swap3A_8 = arith.index_cast %swap3A : i32 to index
    %swap3A_9 = arith.constant 0 : index
    %swap3A_10 = tpu.vector_load %arg7[%swap3A_8, %swap3A_9] {strides = array<i32>} : memref<4x128xf32, #tpu.memory_space<vmem>>, vector<16xf32>,
    tpu.vector_store %arg7[%swap3A_8, %swap3A_9], %gather3A {strides = array<i32>} : memref<4x128xf32, #tpu.memory_space<vmem>>, vector<16xf32>,
    %get3A_11 = arith.constant 0 : i32
    %get3A_12 = arith.index_cast %get3A_11 : i32 to index
    %get3A_13 = arith.constant 16 : index
    %get3A_14 = tpu.vector_load %arg5[%get3A_12, %get3A_13] {strides = array<i32>} : memref<4x128xi32, #tpu.memory_space<vmem>>, vector<16xi32>,
    %gather3A_15 = tpu.vector_load_idx %arg6[%get3A_14] : memref<100000xf32, #tpu.memory_space<vmem>>[vector<16xi32>], vector<16xf32>,
    %swap3A_16 = arith.constant 0 : i32
    %swap3A_17 = arith.index_cast %swap3A_16 : i32 to index
    %swap3A_18 = arith.constant 16 : index
    %swap3A_19 = tpu.vector_load %arg7[%swap3A_17, %swap3A_18] {strides = array<i32>} : memref<4x128xf32, #tpu.memory_space<vmem>>, vector<16xf32>,
    tpu.vector_store %arg7[%swap3A_17, %swap3A_18], %gather3A_15 {strides = array<i32>} : memref<4x128xf32, #tpu.memory_space<vmem>>, vector<16xf32>,
    %get3A_20 = arith.constant 0 : i32
    %get3A_21 = arith.index_cast %get3A_20 : i32 to index
    %get3A_22 = arith.constant 32 : index
    %get3A_23 = tpu.vector_load %arg5[%get3A_21, %get3A_22] {strides = array<i32>} : memref<4x128xi32, #tpu.memory_space<vmem>>, vector<16xi32>,
    %gather3A_24 = tpu.vector_load_idx %arg6[%get3A_23] : memref<100000xf32, #tpu.memory_space<vmem>>[vector<16xi32>], vector<16xf32>,
    %swap3A_25 = arith.constant 0 : i32
    %swap3A_26 = arith.index_cast %swap3A_25 : i32 to index
    %swap3A_27 = arith.constant 32 : index
    %swap3A_28 = tpu.vector_load %arg7[%swap3A_26, %swap3A_27] {strides = array<i32>} : memref<4x128xf32, #tpu.memory_space<vmem>>, vector<16xf32>,
    tpu.vector_store %arg7[%swap3A_26, %swap3A_27], %gather3A_24 {strides = array<i32>} : memref<4x128xf32, #tpu.memory_space<vmem>>, vector<16xf32>,
    %get3A_29 = arith.constant 0 : i32
    %get3A_30 = arith.index_cast %get3A_29 : i32 to index
    %get3A_31 = arith.constant 48 : index
    %get3A_32 = tpu.vector_load %arg5[%get3A_30, %get3A_31] {strides = array<i32>} : memref<4x128xi32, #tpu.memory_space<vmem>>, vector<16xi32>,
    %gather3A_33 = tpu.vector_load_idx %arg6[%get3A_32] : memref<100000xf32, #tpu.memory_space<vmem>>[vector<16xi32>], vector<16xf32>,
    %swap3A_34 = arith.constant 0 : i32
    %swap3A_35 = arith.index_cast %swap3A_34 : i32 to index
    %swap3A_36 = arith.constant 48 : index
    %swap3A_37 = tpu.vector_load %arg7[%swap3A_35, %swap3A_36] {strides = array<i32>} : memref<4x128xf32, #tpu.memory_space<vmem>>, vector<16xf32>,
    tpu.vector_store %arg7[%swap3A_35, %swap3A_36], %gather3A_33 {strides = array<i32>} : memref<4x128xf32, #tpu.memory_space<vmem>>, vector<16xf32>,
    %get3A_38 = arith.constant 0 : i32
    %get3A_39 = arith.index_cast %get3A_38 : i32 to index
    %get3A_40 = arith.constant 64 : index
    %get3A_41 = tpu.vector_load %arg5[%get3A_39, %get3A_40] {strides = array<i32>} : memref<4x128xi32, #tpu.memory_space<vmem>>, vector<16xi32>,
    %gather3A_42 = tpu.vector_load_idx %arg6[%get3A_41] : memref<100000xf32, #tpu.memory_space<vmem>>[vector<16xi32>], vector<16xf32>,
    %swap3A_43 = arith.constant 0 : i32
    %swap3A_44 = arith.index_cast %swap3A_43 : i32 to index
    %swap3A_45 = arith.constant 64 : index
    %swap3A_46 = tpu.vector_load %arg7[%swap3A_44, %swap3A_45] {strides = array<i32>} : memref<4x128xf32, #tpu.memory_space<vmem>>, vector<16xf32>,
    tpu.vector_store %arg7[%swap3A_44, %swap3A_45], %gather3A_42 {strides = array<i32>} : memref<4x128xf32, #tpu.memory_space<vmem>>, vector<16xf32>,
    %get3A_47 = arith.constant 0 : i32
    %get3A_48 = arith.index_cast %get3A_47 : i32 to index
    %get3A_49 = arith.constant 80 : index
    %get3A_50 = tpu.vector_load %arg5[%get3A_48, %get3A_49] {strides = array<i32>} : memref<4x128xi32, #tpu.memory_space<vmem>>, vector<16xi32>,
    %gather3A_51 = tpu.vector_load_idx %arg6[%get3A_50] : memref<100000xf32, #tpu.memory_space<vmem>>[vector<16xi32>], vector<16xf32>,
    %swap3A_52 = arith.constant 0 : i32
    %swap3A_53 = arith.index_cast %swap3A_52 : i32 to index
    %swap3A_54 = arith.constant 80 : index
    %swap3A_55 = tpu.vector_load %arg7[%swap3A_53, %swap3A_54] {strides = array<i32>} : memref<4x128xf32, #tpu.memory_space<vmem>>, vector<16xf32>,
    tpu.vector_store %arg7[%swap3A_53, %swap3A_54], %gather3A_51 {strides = array<i32>} : memref<4x128xf32, #tpu.memory_space<vmem>>, vector<16xf32>,
    %get3A_56 = arith.constant 0 : i32
    %get3A_57 = arith.index_cast %get3A_56 : i32 to index
    %get3A_58 = arith.constant 96 : index
    %get3A_59 = tpu.vector_load %arg5[%get3A_57, %get3A_58] {strides = array<i32>} : memref<4x128xi32, #tpu.memory_space<vmem>>, vector<16xi32>,
    %gather3A_60 = tpu.vector_load_idx %arg6[%get3A_59] : memref<100000xf32, #tpu.memory_space<vmem>>[vector<16xi32>], vector<16xf32>,
    %swap3A_61 = arith.constant 0 : i32
    %swap3A_62 = arith.index_cast %swap3A_61 : i32 to index
    %swap3A_63 = arith.constant 96 : index
    %swap3A_64 = tpu.vector_load %arg7[%swap3A_62, %swap3A_63] {strides = array<i32>} : memref<4x128xf32, #tpu.memory_space<vmem>>, vector<16xf32>,
    tpu.vector_store %arg7[%swap3A_62, %swap3A_63], %gather3A_60 {strides = array<i32>} : memref<4x128xf32, #tpu.memory_space<vmem>>, vector<16xf32>,
    %get3A_65 = arith.constant 0 : i32
    %get3A_66 = arith.index_cast %get3A_65 : i32 to index
    %get3A_67 = arith.constant 112 : index
    %get3A_68 = tpu.vector_load %arg5[%get3A_66, %get3A_67] {strides = array<i32>} : memref<4x128xi32, #tpu.memory_space<vmem>>, vector<16xi32>,
    %gather3A_69 = tpu.vector_load_idx %arg6[%get3A_68] : memref<100000xf32, #tpu.memory_space<vmem>>[vector<16xi32>], vector<16xf32>,
    %swap3A_70 = arith.constant 0 : i32
    %swap3A_71 = arith.index_cast %swap3A_70 : i32 to index
    %swap3A_72 = arith.constant 112 : index
    %swap3A_73 = tpu.vector_load %arg7[%swap3A_71, %swap3A_72] {strides = array<i32>} : memref<4x128xf32, #tpu.memory_space<vmem>>, vector<16xf32>,
    tpu.vector_store %arg7[%swap3A_71, %swap3A_72], %gather3A_69 {strides = array<i32>} : memref<4x128xf32, #tpu.memory_space<vmem>>, vector<16xf32>,
    %add3A_74 = arith.constant 1 : i32
    %add3A_75 = arith.addi %mul3A_2, %add3A_74 : i32
    "tpu.region"() ({
      %run_scoped3A = tpu.sem_alloc : memref<!tpu.dma_semaphore, #tpu.memory_space<semaphore_mem>>
      %dma_start3A = arith.constant 0 : i32
      %dma_start3A_296 = tpu.memref_slice %arg2[%add3A_75, %dma_start3A] : memref<128x100000xf32, #tpu.memory_space<hbm>> -> memref<1x100000xf32, #tpu.memory_space<hbm>>
      %dma_start3A_297 = tpu.memref_squeeze %dma_start3A_296 : memref<1x100000xf32, #tpu.memory_space<hbm>> -> memref<100000xf32, #tpu.memory_space<hbm>>
      %dma_start3A_298 = arith.constant 0 : i32
      %dma_start3A_299 = tpu.memref_slice %arg2[%add3A_75, %dma_start3A_298] : memref<128x100000xf32, #tpu.memory_space<hbm>> -> memref<1x100000xf32, #tpu.memory_space<hbm>>
      %dma_start3A_300 = tpu.memref_squeeze %dma_start3A_299 : memref<1x100000xf32, #tpu.memory_space<hbm>> -> memref<100000xf32, #tpu.memory_space<hbm>>
      tpu.enqueue_dma source(%dma_start3A_300 : memref<100000xf32, #tpu.memory_space<hbm>>) target(%arg6 : memref<100000xf32, #tpu.memory_space<vmem>>) target_semaphore(%run_scoped3A : memref<!tpu.dma_semaphore, #tpu.memory_space<semaphore_mem>>)
      %dma_wait3A = arith.constant 0 : i32
      %dma_wait3A_301 = tpu.memref_slice %arg2[%add3A_75, %dma_wait3A] : memref<128x100000xf32, #tpu.memory_space<hbm>> -> memref<1x100000xf32, #tpu.memory_space<hbm>>
      %dma_wait3A_302 = tpu.memref_squeeze %dma_wait3A_301 : memref<1x100000xf32, #tpu.memory_space<hbm>> -> memref<100000xf32, #tpu.memory_space<hbm>>
      %dma_wait3A_303 = arith.constant 0 : i32
      %dma_wait3A_304 = tpu.memref_slice %arg2[%add3A_75, %dma_wait3A_303] : memref<128x100000xf32, #tpu.memory_space<hbm>> -> memref<1x100000xf32, #tpu.memory_space<hbm>>
      %dma_wait3A_305 = tpu.memref_squeeze %dma_wait3A_304 : memref<1x100000xf32, #tpu.memory_space<hbm>> -> memref<100000xf32, #tpu.memory_space<hbm>>
      tpu.wait_dma2 semaphore(%run_scoped3A : memref<!tpu.dma_semaphore, #tpu.memory_space<semaphore_mem>>) src(%dma_wait3A_305 : memref<100000xf32, #tpu.memory_space<hbm>>) dst(%arg6 : memref<100000xf32, #tpu.memory_space<vmem>>)
      tpu.yield
    }) : () -> ()
    %get3A_76 = arith.constant 1 : i32
    %get3A_77 = arith.index_cast %get3A_76 : i32 to index
    %get3A_78 = arith.constant 0 : index
    %get3A_79 = tpu.vector_load %arg5[%get3A_77, %get3A_78] {strides = array<i32>} : memref<4x128xi32, #tpu.memory_space<vmem>>, vector<16xi32>,
    %gather3A_80 = tpu.vector_load_idx %arg6[%get3A_79] : memref<100000xf32, #tpu.memory_space<vmem>>[vector<16xi32>], vector<16xf32>,
    %swap3A_81 = arith.constant 1 : i32
    %swap3A_82 = arith.index_cast %swap3A_81 : i32 to index
    %swap3A_83 = arith.constant 0 : index
    %swap3A_84 = tpu.vector_load %arg7[%swap3A_82, %swap3A_83] {strides = array<i32>} : memref<4x128xf32, #tpu.memory_space<vmem>>, vector<16xf32>,
    tpu.vector_store %arg7[%swap3A_82, %swap3A_83], %gather3A_80 {strides = array<i32>} : memref<4x128xf32, #tpu.memory_space<vmem>>, vector<16xf32>,
    %get3A_85 = arith.constant 1 : i32
    %get3A_86 = arith.index_cast %get3A_85 : i32 to index
    %get3A_87 = arith.constant 16 : index
    %get3A_88 = tpu.vector_load %arg5[%get3A_86, %get3A_87] {strides = array<i32>} : memref<4x128xi32, #tpu.memory_space<vmem>>, vector<16xi32>,
    %gather3A_89 = tpu.vector_load_idx %arg6[%get3A_88] : memref<100000xf32, #tpu.memory_space<vmem>>[vector<16xi32>], vector<16xf32>,
    %swap3A_90 = arith.constant 1 : i32
    %swap3A_91 = arith.index_cast %swap3A_90 : i32 to index
    %swap3A_92 = arith.constant 16 : index
    %swap3A_93 = tpu.vector_load %arg7[%swap3A_91, %swap3A_92] {strides = array<i32>} : memref<4x128xf32, #tpu.memory_space<vmem>>, vector<16xf32>,
    tpu.vector_store %arg7[%swap3A_91, %swap3A_92], %gather3A_89 {strides = array<i32>} : memref<4x128xf32, #tpu.memory_space<vmem>>, vector<16xf32>,
    %get3A_94 = arith.constant 1 : i32
    %get3A_95 = arith.index_cast %get3A_94 : i32 to index
    %get3A_96 = arith.constant 32 : index
    %get3A_97 = tpu.vector_load %arg5[%get3A_95, %get3A_96] {strides = array<i32>} : memref<4x128xi32, #tpu.memory_space<vmem>>, vector<16xi32>,
    %gather3A_98 = tpu.vector_load_idx %arg6[%get3A_97] : memref<100000xf32, #tpu.memory_space<vmem>>[vector<16xi32>], vector<16xf32>,
    %swap3A_99 = arith.constant 1 : i32
    %swap3A_100 = arith.index_cast %swap3A_99 : i32 to index
    %swap3A_101 = arith.constant 32 : index
    %swap3A_102 = tpu.vector_load %arg7[%swap3A_100, %swap3A_101] {strides = array<i32>} : memref<4x128xf32, #tpu.memory_space<vmem>>, vector<16xf32>,
    tpu.vector_store %arg7[%swap3A_100, %swap3A_101], %gather3A_98 {strides = array<i32>} : memref<4x128xf32, #tpu.memory_space<vmem>>, vector<16xf32>,
    %get3A_103 = arith.constant 1 : i32
    %get3A_104 = arith.index_cast %get3A_103 : i32 to index
    %get3A_105 = arith.constant 48 : index
    %get3A_106 = tpu.vector_load %arg5[%get3A_104, %get3A_105] {strides = array<i32>} : memref<4x128xi32, #tpu.memory_space<vmem>>, vector<16xi32>,
    %gather3A_107 = tpu.vector_load_idx %arg6[%get3A_106] : memref<100000xf32, #tpu.memory_space<vmem>>[vector<16xi32>], vector<16xf32>,
    %swap3A_108 = arith.constant 1 : i32
    %swap3A_109 = arith.index_cast %swap3A_108 : i32 to index
    %swap3A_110 = arith.constant 48 : index
    %swap3A_111 = tpu.vector_load %arg7[%swap3A_109, %swap3A_110] {strides = array<i32>} : memref<4x128xf32, #tpu.memory_space<vmem>>, vector<16xf32>,
    tpu.vector_store %arg7[%swap3A_109, %swap3A_110], %gather3A_107 {strides = array<i32>} : memref<4x128xf32, #tpu.memory_space<vmem>>, vector<16xf32>,
    %get3A_112 = arith.constant 1 : i32
    %get3A_113 = arith.index_cast %get3A_112 : i32 to index
    %get3A_114 = arith.constant 64 : index
    %get3A_115 = tpu.vector_load %arg5[%get3A_113, %get3A_114] {strides = array<i32>} : memref<4x128xi32, #tpu.memory_space<vmem>>, vector<16xi32>,
    %gather3A_116 = tpu.vector_load_idx %arg6[%get3A_115] : memref<100000xf32, #tpu.memory_space<vmem>>[vector<16xi32>], vector<16xf32>,
    %swap3A_117 = arith.constant 1 : i32
    %swap3A_118 = arith.index_cast %swap3A_117 : i32 to index
    %swap3A_119 = arith.constant 64 : index
    %swap3A_120 = tpu.vector_load %arg7[%swap3A_118, %swap3A_119] {strides = array<i32>} : memref<4x128xf32, #tpu.memory_space<vmem>>, vector<16xf32>,
    tpu.vector_store %arg7[%swap3A_118, %swap3A_119], %gather3A_116 {strides = array<i32>} : memref<4x128xf32, #tpu.memory_space<vmem>>, vector<16xf32>,
    %get3A_121 = arith.constant 1 : i32
    %get3A_122 = arith.index_cast %get3A_121 : i32 to index
    %get3A_123 = arith.constant 80 : index
    %get3A_124 = tpu.vector_load %arg5[%get3A_122, %get3A_123] {strides = array<i32>} : memref<4x128xi32, #tpu.memory_space<vmem>>, vector<16xi32>,
    %gather3A_125 = tpu.vector_load_idx %arg6[%get3A_124] : memref<100000xf32, #tpu.memory_space<vmem>>[vector<16xi32>], vector<16xf32>,
    %swap3A_126 = arith.constant 1 : i32
    %swap3A_127 = arith.index_cast %swap3A_126 : i32 to index
    %swap3A_128 = arith.constant 80 : index
    %swap3A_129 = tpu.vector_load %arg7[%swap3A_127, %swap3A_128] {strides = array<i32>} : memref<4x128xf32, #tpu.memory_space<vmem>>, vector<16xf32>,
    tpu.vector_store %arg7[%swap3A_127, %swap3A_128], %gather3A_125 {strides = array<i32>} : memref<4x128xf32, #tpu.memory_space<vmem>>, vector<16xf32>,
    %get3A_130 = arith.constant 1 : i32
    %get3A_131 = arith.index_cast %get3A_130 : i32 to index
    %get3A_132 = arith.constant 96 : index
    %get3A_133 = tpu.vector_load %arg5[%get3A_131, %get3A_132] {strides = array<i32>} : memref<4x128xi32, #tpu.memory_space<vmem>>, vector<16xi32>,
    %gather3A_134 = tpu.vector_load_idx %arg6[%get3A_133] : memref<100000xf32, #tpu.memory_space<vmem>>[vector<16xi32>], vector<16xf32>,
    %swap3A_135 = arith.constant 1 : i32
    %swap3A_136 = arith.index_cast %swap3A_135 : i32 to index
    %swap3A_137 = arith.constant 96 : index
    %swap3A_138 = tpu.vector_load %arg7[%swap3A_136, %swap3A_137] {strides = array<i32>} : memref<4x128xf32, #tpu.memory_space<vmem>>, vector<16xf32>,
    tpu.vector_store %arg7[%swap3A_136, %swap3A_137], %gather3A_134 {strides = array<i32>} : memref<4x128xf32, #tpu.memory_space<vmem>>, vector<16xf32>,
    %get3A_139 = arith.constant 1 : i32
    %get3A_140 = arith.index_cast %get3A_139 : i32 to index
    %get3A_141 = arith.constant 112 : index
    %get3A_142 = tpu.vector_load %arg5[%get3A_140, %get3A_141] {strides = array<i32>} : memref<4x128xi32, #tpu.memory_space<vmem>>, vector<16xi32>,
    %gather3A_143 = tpu.vector_load_idx %arg6[%get3A_142] : memref<100000xf32, #tpu.memory_space<vmem>>[vector<16xi32>], vector<16xf32>,
    %swap3A_144 = arith.constant 1 : i32
    %swap3A_145 = arith.index_cast %swap3A_144 : i32 to index
    %swap3A_146 = arith.constant 112 : index
    %swap3A_147 = tpu.vector_load %arg7[%swap3A_145, %swap3A_146] {strides = array<i32>} : memref<4x128xf32, #tpu.memory_space<vmem>>, vector<16xf32>,
    tpu.vector_store %arg7[%swap3A_145, %swap3A_146], %gather3A_143 {strides = array<i32>} : memref<4x128xf32, #tpu.memory_space<vmem>>, vector<16xf32>,
    %add3A_148 = arith.constant 2 : i32
    %add3A_149 = arith.addi %mul3A_2, %add3A_148 : i32
    "tpu.region"() ({
      %run_scoped3A = tpu.sem_alloc : memref<!tpu.dma_semaphore, #tpu.memory_space<semaphore_mem>>
      %dma_start3A = arith.constant 0 : i32
      %dma_start3A_296 = tpu.memref_slice %arg2[%add3A_149, %dma_start3A] : memref<128x100000xf32, #tpu.memory_space<hbm>> -> memref<1x100000xf32, #tpu.memory_space<hbm>>
      %dma_start3A_297 = tpu.memref_squeeze %dma_start3A_296 : memref<1x100000xf32, #tpu.memory_space<hbm>> -> memref<100000xf32, #tpu.memory_space<hbm>>
      %dma_start3A_298 = arith.constant 0 : i32
      %dma_start3A_299 = tpu.memref_slice %arg2[%add3A_149, %dma_start3A_298] : memref<128x100000xf32, #tpu.memory_space<hbm>> -> memref<1x100000xf32, #tpu.memory_space<hbm>>
      %dma_start3A_300 = tpu.memref_squeeze %dma_start3A_299 : memref<1x100000xf32, #tpu.memory_space<hbm>> -> memref<100000xf32, #tpu.memory_space<hbm>>
      tpu.enqueue_dma source(%dma_start3A_300 : memref<100000xf32, #tpu.memory_space<hbm>>) target(%arg6 : memref<100000xf32, #tpu.memory_space<vmem>>) target_semaphore(%run_scoped3A : memref<!tpu.dma_semaphore, #tpu.memory_space<semaphore_mem>>)
      %dma_wait3A = arith.constant 0 : i32
      %dma_wait3A_301 = tpu.memref_slice %arg2[%add3A_149, %dma_wait3A] : memref<128x100000xf32, #tpu.memory_space<hbm>> -> memref<1x100000xf32, #tpu.memory_space<hbm>>
      %dma_wait3A_302 = tpu.memref_squeeze %dma_wait3A_301 : memref<1x100000xf32, #tpu.memory_space<hbm>> -> memref<100000xf32, #tpu.memory_space<hbm>>
      %dma_wait3A_303 = arith.constant 0 : i32
      %dma_wait3A_304 = tpu.memref_slice %arg2[%add3A_149, %dma_wait3A_303] : memref<128x100000xf32, #tpu.memory_space<hbm>> -> memref<1x100000xf32, #tpu.memory_space<hbm>>
      %dma_wait3A_305 = tpu.memref_squeeze %dma_wait3A_304 : memref<1x100000xf32, #tpu.memory_space<hbm>> -> memref<100000xf32, #tpu.memory_space<hbm>>
      tpu.wait_dma2 semaphore(%run_scoped3A : memref<!tpu.dma_semaphore, #tpu.memory_space<semaphore_mem>>) src(%dma_wait3A_305 : memref<100000xf32, #tpu.memory_space<hbm>>) dst(%arg6 : memref<100000xf32, #tpu.memory_space<vmem>>)
      tpu.yield
    }) : () -> ()
    %get3A_150 = arith.constant 2 : i32
    %get3A_151 = arith.index_cast %get3A_150 : i32 to index
    %get3A_152 = arith.constant 0 : index
    %get3A_153 = tpu.vector_load %arg5[%get3A_151, %get3A_152] {strides = array<i32>} : memref<4x128xi32, #tpu.memory_space<vmem>>, vector<16xi32>,
    %gather3A_154 = tpu.vector_load_idx %arg6[%get3A_153] : memref<100000xf32, #tpu.memory_space<vmem>>[vector<16xi32>], vector<16xf32>,
    %swap3A_155 = arith.constant 2 : i32
    %swap3A_156 = arith.index_cast %swap3A_155 : i32 to index
    %swap3A_157 = arith.constant 0 : index
    %swap3A_158 = tpu.vector_load %arg7[%swap3A_156, %swap3A_157] {strides = array<i32>} : memref<4x128xf32, #tpu.memory_space<vmem>>, vector<16xf32>,
    tpu.vector_store %arg7[%swap3A_156, %swap3A_157], %gather3A_154 {strides = array<i32>} : memref<4x128xf32, #tpu.memory_space<vmem>>, vector<16xf32>,
    %get3A_159 = arith.constant 2 : i32
    %get3A_160 = arith.index_cast %get3A_159 : i32 to index
    %get3A_161 = arith.constant 16 : index
    %get3A_162 = tpu.vector_load %arg5[%get3A_160, %get3A_161] {strides = array<i32>} : memref<4x128xi32, #tpu.memory_space<vmem>>, vector<16xi32>,
    %gather3A_163 = tpu.vector_load_idx %arg6[%get3A_162] : memref<100000xf32, #tpu.memory_space<vmem>>[vector<16xi32>], vector<16xf32>,
    %swap3A_164 = arith.constant 2 : i32
    %swap3A_165 = arith.index_cast %swap3A_164 : i32 to index
    %swap3A_166 = arith.constant 16 : index
    %swap3A_167 = tpu.vector_load %arg7[%swap3A_165, %swap3A_166] {strides = array<i32>} : memref<4x128xf32, #tpu.memory_space<vmem>>, vector<16xf32>,
    tpu.vector_store %arg7[%swap3A_165, %swap3A_166], %gather3A_163 {strides = array<i32>} : memref<4x128xf32, #tpu.memory_space<vmem>>, vector<16xf32>,
    %get3A_168 = arith.constant 2 : i32
    %get3A_169 = arith.index_cast %get3A_168 : i32 to index
    %get3A_170 = arith.constant 32 : index
    %get3A_171 = tpu.vector_load %arg5[%get3A_169, %get3A_170] {strides = array<i32>} : memref<4x128xi32, #tpu.memory_space<vmem>>, vector<16xi32>,
    %gather3A_172 = tpu.vector_load_idx %arg6[%get3A_171] : memref<100000xf32, #tpu.memory_space<vmem>>[vector<16xi32>], vector<16xf32>,
    %swap3A_173 = arith.constant 2 : i32
    %swap3A_174 = arith.index_cast %swap3A_173 : i32 to index
    %swap3A_175 = arith.constant 32 : index
    %swap3A_176 = tpu.vector_load %arg7[%swap3A_174, %swap3A_175] {strides = array<i32>} : memref<4x128xf32, #tpu.memory_space<vmem>>, vector<16xf32>,
    tpu.vector_store %arg7[%swap3A_174, %swap3A_175], %gather3A_172 {strides = array<i32>} : memref<4x128xf32, #tpu.memory_space<vmem>>, vector<16xf32>,
    %get3A_177 = arith.constant 2 : i32
    %get3A_178 = arith.index_cast %get3A_177 : i32 to index
    %get3A_179 = arith.constant 48 : index
    %get3A_180 = tpu.vector_load %arg5[%get3A_178, %get3A_179] {strides = array<i32>} : memref<4x128xi32, #tpu.memory_space<vmem>>, vector<16xi32>,
    %gather3A_181 = tpu.vector_load_idx %arg6[%get3A_180] : memref<100000xf32, #tpu.memory_space<vmem>>[vector<16xi32>], vector<16xf32>,
    %swap3A_182 = arith.constant 2 : i32
    %swap3A_183 = arith.index_cast %swap3A_182 : i32 to index
    %swap3A_184 = arith.constant 48 : index
    %swap3A_185 = tpu.vector_load %arg7[%swap3A_183, %swap3A_184] {strides = array<i32>} : memref<4x128xf32, #tpu.memory_space<vmem>>, vector<16xf32>,
    tpu.vector_store %arg7[%swap3A_183, %swap3A_184], %gather3A_181 {strides = array<i32>} : memref<4x128xf32, #tpu.memory_space<vmem>>, vector<16xf32>,
    %get3A_186 = arith.constant 2 : i32
    %get3A_187 = arith.index_cast %get3A_186 : i32 to index
    %get3A_188 = arith.constant 64 : index
    %get3A_189 = tpu.vector_load %arg5[%get3A_187, %get3A_188] {strides = array<i32>} : memref<4x128xi32, #tpu.memory_space<vmem>>, vector<16xi32>,
    %gather3A_190 = tpu.vector_load_idx %arg6[%get3A_189] : memref<100000xf32, #tpu.memory_space<vmem>>[vector<16xi32>], vector<16xf32>,
    %swap3A_191 = arith.constant 2 : i32
    %swap3A_192 = arith.index_cast %swap3A_191 : i32 to index
    %swap3A_193 = arith.constant 64 : index
    %swap3A_194 = tpu.vector_load %arg7[%swap3A_192, %swap3A_193] {strides = array<i32>} : memref<4x128xf32, #tpu.memory_space<vmem>>, vector<16xf32>,
    tpu.vector_store %arg7[%swap3A_192, %swap3A_193], %gather3A_190 {strides = array<i32>} : memref<4x128xf32, #tpu.memory_space<vmem>>, vector<16xf32>,
    %get3A_195 = arith.constant 2 : i32
    %get3A_196 = arith.index_cast %get3A_195 : i32 to index
    %get3A_197 = arith.constant 80 : index
    %get3A_198 = tpu.vector_load %arg5[%get3A_196, %get3A_197] {strides = array<i32>} : memref<4x128xi32, #tpu.memory_space<vmem>>, vector<16xi32>,
    %gather3A_199 = tpu.vector_load_idx %arg6[%get3A_198] : memref<100000xf32, #tpu.memory_space<vmem>>[vector<16xi32>], vector<16xf32>,
    %swap3A_200 = arith.constant 2 : i32
    %swap3A_201 = arith.index_cast %swap3A_200 : i32 to index
    %swap3A_202 = arith.constant 80 : index
    %swap3A_203 = tpu.vector_load %arg7[%swap3A_201, %swap3A_202] {strides = array<i32>} : memref<4x128xf32, #tpu.memory_space<vmem>>, vector<16xf32>,
    tpu.vector_store %arg7[%swap3A_201, %swap3A_202], %gather3A_199 {strides = array<i32>} : memref<4x128xf32, #tpu.memory_space<vmem>>, vector<16xf32>,
    %get3A_204 = arith.constant 2 : i32
    %get3A_205 = arith.index_cast %get3A_204 : i32 to index
    %get3A_206 = arith.constant 96 : index
    %get3A_207 = tpu.vector_load %arg5[%get3A_205, %get3A_206] {strides = array<i32>} : memref<4x128xi32, #tpu.memory_space<vmem>>, vector<16xi32>,
    %gather3A_208 = tpu.vector_load_idx %arg6[%get3A_207] : memref<100000xf32, #tpu.memory_space<vmem>>[vector<16xi32>], vector<16xf32>,
    %swap3A_209 = arith.constant 2 : i32
    %swap3A_210 = arith.index_cast %swap3A_209 : i32 to index
    %swap3A_211 = arith.constant 96 : index
    %swap3A_212 = tpu.vector_load %arg7[%swap3A_210, %swap3A_211] {strides = array<i32>} : memref<4x128xf32, #tpu.memory_space<vmem>>, vector<16xf32>,
    tpu.vector_store %arg7[%swap3A_210, %swap3A_211], %gather3A_208 {strides = array<i32>} : memref<4x128xf32, #tpu.memory_space<vmem>>, vector<16xf32>,
    %get3A_213 = arith.constant 2 : i32
    %get3A_214 = arith.index_cast %get3A_213 : i32 to index
    %get3A_215 = arith.constant 112 : index
    %get3A_216 = tpu.vector_load %arg5[%get3A_214, %get3A_215] {strides = array<i32>} : memref<4x128xi32, #tpu.memory_space<vmem>>, vector<16xi32>,
    %gather3A_217 = tpu.vector_load_idx %arg6[%get3A_216] : memref<100000xf32, #tpu.memory_space<vmem>>[vector<16xi32>], vector<16xf32>,
    %swap3A_218 = arith.constant 2 : i32
    %swap3A_219 = arith.index_cast %swap3A_218 : i32 to index
    %swap3A_220 = arith.constant 112 : index
    %swap3A_221 = tpu.vector_load %arg7[%swap3A_219, %swap3A_220] {strides = array<i32>} : memref<4x128xf32, #tpu.memory_space<vmem>>, vector<16xf32>,
    tpu.vector_store %arg7[%swap3A_219, %swap3A_220], %gather3A_217 {strides = array<i32>} : memref<4x128xf32, #tpu.memory_space<vmem>>, vector<16xf32>,
    %add3A_222 = arith.constant 3 : i32
    %add3A_223 = arith.addi %mul3A_2, %add3A_222 : i32
    "tpu.region"() ({
      %run_scoped3A = tpu.sem_alloc : memref<!tpu.dma_semaphore, #tpu.memory_space<semaphore_mem>>
      %dma_start3A = arith.constant 0 : i32
      %dma_start3A_296 = tpu.memref_slice %arg2[%add3A_223, %dma_start3A] : memref<128x100000xf32, #tpu.memory_space<hbm>> -> memref<1x100000xf32, #tpu.memory_space<hbm>>
      %dma_start3A_297 = tpu.memref_squeeze %dma_start3A_296 : memref<1x100000xf32, #tpu.memory_space<hbm>> -> memref<100000xf32, #tpu.memory_space<hbm>>
      %dma_start3A_298 = arith.constant 0 : i32
      %dma_start3A_299 = tpu.memref_slice %arg2[%add3A_223, %dma_start3A_298] : memref<128x100000xf32, #tpu.memory_space<hbm>> -> memref<1x100000xf32, #tpu.memory_space<hbm>>
      %dma_start3A_300 = tpu.memref_squeeze %dma_start3A_299 : memref<1x100000xf32, #tpu.memory_space<hbm>> -> memref<100000xf32, #tpu.memory_space<hbm>>
      tpu.enqueue_dma source(%dma_start3A_300 : memref<100000xf32, #tpu.memory_space<hbm>>) target(%arg6 : memref<100000xf32, #tpu.memory_space<vmem>>) target_semaphore(%run_scoped3A : memref<!tpu.dma_semaphore, #tpu.memory_space<semaphore_mem>>)
      %dma_wait3A = arith.constant 0 : i32
      %dma_wait3A_301 = tpu.memref_slice %arg2[%add3A_223, %dma_wait3A] : memref<128x100000xf32, #tpu.memory_space<hbm>> -> memref<1x100000xf32, #tpu.memory_space<hbm>>
      %dma_wait3A_302 = tpu.memref_squeeze %dma_wait3A_301 : memref<1x100000xf32, #tpu.memory_space<hbm>> -> memref<100000xf32, #tpu.memory_space<hbm>>
      %dma_wait3A_303 = arith.constant 0 : i32
      %dma_wait3A_304 = tpu.memref_slice %arg2[%add3A_223, %dma_wait3A_303] : memref<128x100000xf32, #tpu.memory_space<hbm>> -> memref<1x100000xf32, #tpu.memory_space<hbm>>
      %dma_wait3A_305 = tpu.memref_squeeze %dma_wait3A_304 : memref<1x100000xf32, #tpu.memory_space<hbm>> -> memref<100000xf32, #tpu.memory_space<hbm>>
      tpu.wait_dma2 semaphore(%run_scoped3A : memref<!tpu.dma_semaphore, #tpu.memory_space<semaphore_mem>>) src(%dma_wait3A_305 : memref<100000xf32, #tpu.memory_space<hbm>>) dst(%arg6 : memref<100000xf32, #tpu.memory_space<vmem>>)
      tpu.yield
    }) : () -> ()
    %get3A_224 = arith.constant 3 : i32
    %get3A_225 = arith.index_cast %get3A_224 : i32 to index
    %get3A_226 = arith.constant 0 : index
    %get3A_227 = tpu.vector_load %arg5[%get3A_225, %get3A_226] {strides = array<i32>} : memref<4x128xi32, #tpu.memory_space<vmem>>, vector<16xi32>,
    %gather3A_228 = tpu.vector_load_idx %arg6[%get3A_227] : memref<100000xf32, #tpu.memory_space<vmem>>[vector<16xi32>], vector<16xf32>,
    %swap3A_229 = arith.constant 3 : i32
    %swap3A_230 = arith.index_cast %swap3A_229 : i32 to index
    %swap3A_231 = arith.constant 0 : index
    %swap3A_232 = tpu.vector_load %arg7[%swap3A_230, %swap3A_231] {strides = array<i32>} : memref<4x128xf32, #tpu.memory_space<vmem>>, vector<16xf32>,
    tpu.vector_store %arg7[%swap3A_230, %swap3A_231], %gather3A_228 {strides = array<i32>} : memref<4x128xf32, #tpu.memory_space<vmem>>, vector<16xf32>,
    %get3A_233 = arith.constant 3 : i32
    %get3A_234 = arith.index_cast %get3A_233 : i32 to index
    %get3A_235 = arith.constant 16 : index
    %get3A_236 = tpu.vector_load %arg5[%get3A_234, %get3A_235] {strides = array<i32>} : memref<4x128xi32, #tpu.memory_space<vmem>>, vector<16xi32>,
    %gather3A_237 = tpu.vector_load_idx %arg6[%get3A_236] : memref<100000xf32, #tpu.memory_space<vmem>>[vector<16xi32>], vector<16xf32>,
    %swap3A_238 = arith.constant 3 : i32
    %swap3A_239 = arith.index_cast %swap3A_238 : i32 to index
    %swap3A_240 = arith.constant 16 : index
    %swap3A_241 = tpu.vector_load %arg7[%swap3A_239, %swap3A_240] {strides = array<i32>} : memref<4x128xf32, #tpu.memory_space<vmem>>, vector<16xf32>,
    tpu.vector_store %arg7[%swap3A_239, %swap3A_240], %gather3A_237 {strides = array<i32>} : memref<4x128xf32, #tpu.memory_space<vmem>>, vector<16xf32>,
    %get3A_242 = arith.constant 3 : i32
    %get3A_243 = arith.index_cast %get3A_242 : i32 to index
    %get3A_244 = arith.constant 32 : index
    %get3A_245 = tpu.vector_load %arg5[%get3A_243, %get3A_244] {strides = array<i32>} : memref<4x128xi32, #tpu.memory_space<vmem>>, vector<16xi32>,
    %gather3A_246 = tpu.vector_load_idx %arg6[%get3A_245] : memref<100000xf32, #tpu.memory_space<vmem>>[vector<16xi32>], vector<16xf32>,
    %swap3A_247 = arith.constant 3 : i32
    %swap3A_248 = arith.index_cast %swap3A_247 : i32 to index
    %swap3A_249 = arith.constant 32 : index
    %swap3A_250 = tpu.vector_load %arg7[%swap3A_248, %swap3A_249] {strides = array<i32>} : memref<4x128xf32, #tpu.memory_space<vmem>>, vector<16xf32>,
    tpu.vector_store %arg7[%swap3A_248, %swap3A_249], %gather3A_246 {strides = array<i32>} : memref<4x128xf32, #tpu.memory_space<vmem>>, vector<16xf32>,
    %get3A_251 = arith.constant 3 : i32
    %get3A_252 = arith.index_cast %get3A_251 : i32 to index
    %get3A_253 = arith.constant 48 : index
    %get3A_254 = tpu.vector_load %arg5[%get3A_252, %get3A_253] {strides = array<i32>} : memref<4x128xi32, #tpu.memory_space<vmem>>, vector<16xi32>,
    %gather3A_255 = tpu.vector_load_idx %arg6[%get3A_254] : memref<100000xf32, #tpu.memory_space<vmem>>[vector<16xi32>], vector<16xf32>,
    %swap3A_256 = arith.constant 3 : i32
    %swap3A_257 = arith.index_cast %swap3A_256 : i32 to index
    %swap3A_258 = arith.constant 48 : index
    %swap3A_259 = tpu.vector_load %arg7[%swap3A_257, %swap3A_258] {strides = array<i32>} : memref<4x128xf32, #tpu.memory_space<vmem>>, vector<16xf32>,
    tpu.vector_store %arg7[%swap3A_257, %swap3A_258], %gather3A_255 {strides = array<i32>} : memref<4x128xf32, #tpu.memory_space<vmem>>, vector<16xf32>,
    %get3A_260 = arith.constant 3 : i32
    %get3A_261 = arith.index_cast %get3A_260 : i32 to index
    %get3A_262 = arith.constant 64 : index
    %get3A_263 = tpu.vector_load %arg5[%get3A_261, %get3A_262] {strides = array<i32>} : memref<4x128xi32, #tpu.memory_space<vmem>>, vector<16xi32>,
    %gather3A_264 = tpu.vector_load_idx %arg6[%get3A_263] : memref<100000xf32, #tpu.memory_space<vmem>>[vector<16xi32>], vector<16xf32>,
    %swap3A_265 = arith.constant 3 : i32
    %swap3A_266 = arith.index_cast %swap3A_265 : i32 to index
    %swap3A_267 = arith.constant 64 : index
    %swap3A_268 = tpu.vector_load %arg7[%swap3A_266, %swap3A_267] {strides = array<i32>} : memref<4x128xf32, #tpu.memory_space<vmem>>, vector<16xf32>,
    tpu.vector_store %arg7[%swap3A_266, %swap3A_267], %gather3A_264 {strides = array<i32>} : memref<4x128xf32, #tpu.memory_space<vmem>>, vector<16xf32>,
    %get3A_269 = arith.constant 3 : i32
    %get3A_270 = arith.index_cast %get3A_269 : i32 to index
    %get3A_271 = arith.constant 80 : index
    %get3A_272 = tpu.vector_load %arg5[%get3A_270, %get3A_271] {strides = array<i32>} : memref<4x128xi32, #tpu.memory_space<vmem>>, vector<16xi32>,
    %gather3A_273 = tpu.vector_load_idx %arg6[%get3A_272] : memref<100000xf32, #tpu.memory_space<vmem>>[vector<16xi32>], vector<16xf32>,
    %swap3A_274 = arith.constant 3 : i32
    %swap3A_275 = arith.index_cast %swap3A_274 : i32 to index
    %swap3A_276 = arith.constant 80 : index
    %swap3A_277 = tpu.vector_load %arg7[%swap3A_275, %swap3A_276] {strides = array<i32>} : memref<4x128xf32, #tpu.memory_space<vmem>>, vector<16xf32>,
    tpu.vector_store %arg7[%swap3A_275, %swap3A_276], %gather3A_273 {strides = array<i32>} : memref<4x128xf32, #tpu.memory_space<vmem>>, vector<16xf32>,
    %get3A_278 = arith.constant 3 : i32
    %get3A_279 = arith.index_cast %get3A_278 : i32 to index
    %get3A_280 = arith.constant 96 : index
    %get3A_281 = tpu.vector_load %arg5[%get3A_279, %get3A_280] {strides = array<i32>} : memref<4x128xi32, #tpu.memory_space<vmem>>, vector<16xi32>,
    %gather3A_282 = tpu.vector_load_idx %arg6[%get3A_281] : memref<100000xf32, #tpu.memory_space<vmem>>[vector<16xi32>], vector<16xf32>,
    %swap3A_283 = arith.constant 3 : i32
    %swap3A_284 = arith.index_cast %swap3A_283 : i32 to index
    %swap3A_285 = arith.constant 96 : index
    %swap3A_286 = tpu.vector_load %arg7[%swap3A_284, %swap3A_285] {strides = array<i32>} : memref<4x128xf32, #tpu.memory_space<vmem>>, vector<16xf32>,
    tpu.vector_store %arg7[%swap3A_284, %swap3A_285], %gather3A_282 {strides = array<i32>} : memref<4x128xf32, #tpu.memory_space<vmem>>, vector<16xf32>,
    %get3A_287 = arith.constant 3 : i32
    %get3A_288 = arith.index_cast %get3A_287 : i32 to index
    %get3A_289 = arith.constant 112 : index
    %get3A_290 = tpu.vector_load %arg5[%get3A_288, %get3A_289] {strides = array<i32>} : memref<4x128xi32, #tpu.memory_space<vmem>>, vector<16xi32>,
    %gather3A_291 = tpu.vector_load_idx %arg6[%get3A_290] : memref<100000xf32, #tpu.memory_space<vmem>>[vector<16xi32>], vector<16xf32>,
    %swap3A_292 = arith.constant 3 : i32
    %swap3A_293 = arith.index_cast %swap3A_292 : i32 to index
    %swap3A_294 = arith.constant 112 : index
    %swap3A_295 = tpu.vector_load %arg7[%swap3A_293, %swap3A_294] {strides = array<i32>} : memref<4x128xf32, #tpu.memory_space<vmem>>, vector<16xf32>,
    tpu.vector_store %arg7[%swap3A_293, %swap3A_294], %gather3A_291 {strides = array<i32>} : memref<4x128xf32, #tpu.memory_space<vmem>>, vector<16xf32>,
    "tpu.region"() ({
      %run_scoped3A = tpu.sem_alloc : memref<!tpu.dma_semaphore, #tpu.memory_space<semaphore_mem>>
      %dma_start3A = arith.constant 0 : i32
      %dma_start3A_296 = tpu.memref_slice %arg4[%mul3A_2, %dma_start3A] : memref<128x128xf32, #tpu.memory_space<hbm>> -> memref<4x128xf32, #tpu.memory_space<hbm>>
      %dma_start3A_297 = arith.constant 0 : i32
      %dma_start3A_298 = tpu.memref_slice %arg4[%mul3A_2, %dma_start3A_297] : memref<128x128xf32, #tpu.memory_space<hbm>> -> memref<4x128xf32, #tpu.memory_space<hbm>>
      tpu.enqueue_dma source(%arg7 : memref<4x128xf32, #tpu.memory_space<vmem>>) target(%dma_start3A_298 : memref<4x128xf32, #tpu.memory_space<hbm>>) target_semaphore(%run_scoped3A : memref<!tpu.dma_semaphore, #tpu.memory_space<semaphore_mem>>)
      %dma_wait3A = arith.constant 0 : i32
      %dma_wait3A_299 = tpu.memref_slice %arg4[%mul3A_2, %dma_wait3A] : memref<128x128xf32, #tpu.memory_space<hbm>> -> memref<4x128xf32, #tpu.memory_space<hbm>>
      %dma_wait3A_300 = arith.constant 0 : i32
      %dma_wait3A_301 = tpu.memref_slice %arg4[%mul3A_2, %dma_wait3A_300] : memref<128x128xf32, #tpu.memory_space<hbm>> -> memref<4x128xf32, #tpu.memory_space<hbm>>
      tpu.wait_dma2 semaphore(%run_scoped3A : memref<!tpu.dma_semaphore, #tpu.memory_space<semaphore_mem>>) src(%arg7 : memref<4x128xf32, #tpu.memory_space<vmem>>) dst(%dma_wait3A_301 : memref<4x128xf32, #tpu.memory_space<hbm>>)
      tpu.yield
    }) : () -> ()
    return
  }
}

module attributes {stable_mosaic.version = 14 : i64} {
  func.func @body(%arg0: memref<128x128xi32, #tpu.memory_space<vmem>>, %arg1: memref<128x128xf32, #tpu.memory_space<vmem>>, %arg2: memref<1x1xf32, #tpu.memory_space<vmem>>) attributes {dimension_semantics = [], scalar_prefetch = 0 : i64, scratch_operands = 0 : i64, tpu.core_type = #tpu.core_type<tc>} {
    %get3A = arith.constant 0 : index
    %get3A_0 = arith.constant 0 : index
    %get3A_1 = vector.load %arg0[%get3A, %get3A_0] : memref<128x128xi32, #tpu.memory_space<vmem>>, vector<128x128xi32>
    %iota3A = tpu.iota {dimensions = array<i32: 1>} : vector<128x128xi32>
    %roll3A = arith.constant 1 : i32
    %roll3A_2 = tpu.dynamic_rotate %get3A_1 by %roll3A dim 1 : vector<128x128xi32>, i32 -> vector<128x128xi32>
    %eq3A = arith.cmpi eq, %get3A_1, %roll3A_2 : vector<128x128xi32>
    %ge3A = arith.constant 1 : i32
    %ge3A_3 = vector.broadcast %ge3A : i32 to vector<128x128xi32>
    %ge3A_4 = arith.cmpi sge, %iota3A, %ge3A_3 : vector<128x128xi32>
    %and3A = arith.andi %eq3A, %ge3A_4 : vector<128x128xi1>
    %roll3A_5 = arith.constant 2 : i32
    %roll3A_6 = tpu.dynamic_rotate %get3A_1 by %roll3A_5 dim 1 : vector<128x128xi32>, i32 -> vector<128x128xi32>
    %eq3A_7 = arith.cmpi eq, %get3A_1, %roll3A_6 : vector<128x128xi32>
    %ge3A_8 = arith.constant 2 : i32
    %ge3A_9 = vector.broadcast %ge3A_8 : i32 to vector<128x128xi32>
    %ge3A_10 = arith.cmpi sge, %iota3A, %ge3A_9 : vector<128x128xi32>
    %and3A_11 = arith.andi %eq3A_7, %ge3A_10 : vector<128x128xi1>
    %or3A = arith.ori %and3A, %and3A_11 : vector<128x128xi1>
    %roll3A_12 = arith.constant 3 : i32
    %roll3A_13 = tpu.dynamic_rotate %get3A_1 by %roll3A_12 dim 1 : vector<128x128xi32>, i32 -> vector<128x128xi32>
    %eq3A_14 = arith.cmpi eq, %get3A_1, %roll3A_13 : vector<128x128xi32>
    %ge3A_15 = arith.constant 3 : i32
    %ge3A_16 = vector.broadcast %ge3A_15 : i32 to vector<128x128xi32>
    %ge3A_17 = arith.cmpi sge, %iota3A, %ge3A_16 : vector<128x128xi32>
    %and3A_18 = arith.andi %eq3A_14, %ge3A_17 : vector<128x128xi1>
    %or3A_19 = arith.ori %or3A, %and3A_18 : vector<128x128xi1>
    %roll3A_20 = arith.constant 4 : i32
    %roll3A_21 = tpu.dynamic_rotate %get3A_1 by %roll3A_20 dim 1 : vector<128x128xi32>, i32 -> vector<128x128xi32>
    %eq3A_22 = arith.cmpi eq, %get3A_1, %roll3A_21 : vector<128x128xi32>
    %ge3A_23 = arith.constant 4 : i32
    %ge3A_24 = vector.broadcast %ge3A_23 : i32 to vector<128x128xi32>
    %ge3A_25 = arith.cmpi sge, %iota3A, %ge3A_24 : vector<128x128xi32>
    %and3A_26 = arith.andi %eq3A_22, %ge3A_25 : vector<128x128xi1>
    %or3A_27 = arith.ori %or3A_19, %and3A_26 : vector<128x128xi1>
    %roll3A_28 = arith.constant 5 : i32
    %roll3A_29 = tpu.dynamic_rotate %get3A_1 by %roll3A_28 dim 1 : vector<128x128xi32>, i32 -> vector<128x128xi32>
    %eq3A_30 = arith.cmpi eq, %get3A_1, %roll3A_29 : vector<128x128xi32>
    %ge3A_31 = arith.constant 5 : i32
    %ge3A_32 = vector.broadcast %ge3A_31 : i32 to vector<128x128xi32>
    %ge3A_33 = arith.cmpi sge, %iota3A, %ge3A_32 : vector<128x128xi32>
    %and3A_34 = arith.andi %eq3A_30, %ge3A_33 : vector<128x128xi1>
    %or3A_35 = arith.ori %or3A_27, %and3A_34 : vector<128x128xi1>
    %roll3A_36 = arith.constant 6 : i32
    %roll3A_37 = tpu.dynamic_rotate %get3A_1 by %roll3A_36 dim 1 : vector<128x128xi32>, i32 -> vector<128x128xi32>
    %eq3A_38 = arith.cmpi eq, %get3A_1, %roll3A_37 : vector<128x128xi32>
    %ge3A_39 = arith.constant 6 : i32
    %ge3A_40 = vector.broadcast %ge3A_39 : i32 to vector<128x128xi32>
    %ge3A_41 = arith.cmpi sge, %iota3A, %ge3A_40 : vector<128x128xi32>
    %and3A_42 = arith.andi %eq3A_38, %ge3A_41 : vector<128x128xi1>
    %or3A_43 = arith.ori %or3A_35, %and3A_42 : vector<128x128xi1>
    %roll3A_44 = arith.constant 7 : i32
    %roll3A_45 = tpu.dynamic_rotate %get3A_1 by %roll3A_44 dim 1 : vector<128x128xi32>, i32 -> vector<128x128xi32>
    %eq3A_46 = arith.cmpi eq, %get3A_1, %roll3A_45 : vector<128x128xi32>
    %ge3A_47 = arith.constant 7 : i32
    %ge3A_48 = vector.broadcast %ge3A_47 : i32 to vector<128x128xi32>
    %ge3A_49 = arith.cmpi sge, %iota3A, %ge3A_48 : vector<128x128xi32>
    %and3A_50 = arith.andi %eq3A_46, %ge3A_49 : vector<128x128xi1>
    %or3A_51 = arith.ori %or3A_43, %and3A_50 : vector<128x128xi1>
    %roll3A_52 = arith.constant 8 : i32
    %roll3A_53 = tpu.dynamic_rotate %get3A_1 by %roll3A_52 dim 1 : vector<128x128xi32>, i32 -> vector<128x128xi32>
    %eq3A_54 = arith.cmpi eq, %get3A_1, %roll3A_53 : vector<128x128xi32>
    %ge3A_55 = arith.constant 8 : i32
    %ge3A_56 = vector.broadcast %ge3A_55 : i32 to vector<128x128xi32>
    %ge3A_57 = arith.cmpi sge, %iota3A, %ge3A_56 : vector<128x128xi32>
    %and3A_58 = arith.andi %eq3A_54, %ge3A_57 : vector<128x128xi1>
    %or3A_59 = arith.ori %or3A_51, %and3A_58 : vector<128x128xi1>
    %roll3A_60 = arith.constant 9 : i32
    %roll3A_61 = tpu.dynamic_rotate %get3A_1 by %roll3A_60 dim 1 : vector<128x128xi32>, i32 -> vector<128x128xi32>
    %eq3A_62 = arith.cmpi eq, %get3A_1, %roll3A_61 : vector<128x128xi32>
    %ge3A_63 = arith.constant 9 : i32
    %ge3A_64 = vector.broadcast %ge3A_63 : i32 to vector<128x128xi32>
    %ge3A_65 = arith.cmpi sge, %iota3A, %ge3A_64 : vector<128x128xi32>
    %and3A_66 = arith.andi %eq3A_62, %ge3A_65 : vector<128x128xi1>
    %or3A_67 = arith.ori %or3A_59, %and3A_66 : vector<128x128xi1>
    %roll3A_68 = arith.constant 10 : i32
    %roll3A_69 = tpu.dynamic_rotate %get3A_1 by %roll3A_68 dim 1 : vector<128x128xi32>, i32 -> vector<128x128xi32>
    %eq3A_70 = arith.cmpi eq, %get3A_1, %roll3A_69 : vector<128x128xi32>
    %ge3A_71 = arith.constant 10 : i32
    %ge3A_72 = vector.broadcast %ge3A_71 : i32 to vector<128x128xi32>
    %ge3A_73 = arith.cmpi sge, %iota3A, %ge3A_72 : vector<128x128xi32>
    %and3A_74 = arith.andi %eq3A_70, %ge3A_73 : vector<128x128xi1>
    %or3A_75 = arith.ori %or3A_67, %and3A_74 : vector<128x128xi1>
    %roll3A_76 = arith.constant 11 : i32
    %roll3A_77 = tpu.dynamic_rotate %get3A_1 by %roll3A_76 dim 1 : vector<128x128xi32>, i32 -> vector<128x128xi32>
    %eq3A_78 = arith.cmpi eq, %get3A_1, %roll3A_77 : vector<128x128xi32>
    %ge3A_79 = arith.constant 11 : i32
    %ge3A_80 = vector.broadcast %ge3A_79 : i32 to vector<128x128xi32>
    %ge3A_81 = arith.cmpi sge, %iota3A, %ge3A_80 : vector<128x128xi32>
    %and3A_82 = arith.andi %eq3A_78, %ge3A_81 : vector<128x128xi1>
    %or3A_83 = arith.ori %or3A_75, %and3A_82 : vector<128x128xi1>
    %roll3A_84 = arith.constant 12 : i32
    %roll3A_85 = tpu.dynamic_rotate %get3A_1 by %roll3A_84 dim 1 : vector<128x128xi32>, i32 -> vector<128x128xi32>
    %eq3A_86 = arith.cmpi eq, %get3A_1, %roll3A_85 : vector<128x128xi32>
    %ge3A_87 = arith.constant 12 : i32
    %ge3A_88 = vector.broadcast %ge3A_87 : i32 to vector<128x128xi32>
    %ge3A_89 = arith.cmpi sge, %iota3A, %ge3A_88 : vector<128x128xi32>
    %and3A_90 = arith.andi %eq3A_86, %ge3A_89 : vector<128x128xi1>
    %or3A_91 = arith.ori %or3A_83, %and3A_90 : vector<128x128xi1>
    %roll3A_92 = arith.constant 13 : i32
    %roll3A_93 = tpu.dynamic_rotate %get3A_1 by %roll3A_92 dim 1 : vector<128x128xi32>, i32 -> vector<128x128xi32>
    %eq3A_94 = arith.cmpi eq, %get3A_1, %roll3A_93 : vector<128x128xi32>
    %ge3A_95 = arith.constant 13 : i32
    %ge3A_96 = vector.broadcast %ge3A_95 : i32 to vector<128x128xi32>
    %ge3A_97 = arith.cmpi sge, %iota3A, %ge3A_96 : vector<128x128xi32>
    %and3A_98 = arith.andi %eq3A_94, %ge3A_97 : vector<128x128xi1>
    %or3A_99 = arith.ori %or3A_91, %and3A_98 : vector<128x128xi1>
    %roll3A_100 = arith.constant 14 : i32
    %roll3A_101 = tpu.dynamic_rotate %get3A_1 by %roll3A_100 dim 1 : vector<128x128xi32>, i32 -> vector<128x128xi32>
    %eq3A_102 = arith.cmpi eq, %get3A_1, %roll3A_101 : vector<128x128xi32>
    %ge3A_103 = arith.constant 14 : i32
    %ge3A_104 = vector.broadcast %ge3A_103 : i32 to vector<128x128xi32>
    %ge3A_105 = arith.cmpi sge, %iota3A, %ge3A_104 : vector<128x128xi32>
    %and3A_106 = arith.andi %eq3A_102, %ge3A_105 : vector<128x128xi1>
    %or3A_107 = arith.ori %or3A_99, %and3A_106 : vector<128x128xi1>
    %roll3A_108 = arith.constant 15 : i32
    %roll3A_109 = tpu.dynamic_rotate %get3A_1 by %roll3A_108 dim 1 : vector<128x128xi32>, i32 -> vector<128x128xi32>
    %eq3A_110 = arith.cmpi eq, %get3A_1, %roll3A_109 : vector<128x128xi32>
    %ge3A_111 = arith.constant 15 : i32
    %ge3A_112 = vector.broadcast %ge3A_111 : i32 to vector<128x128xi32>
    %ge3A_113 = arith.cmpi sge, %iota3A, %ge3A_112 : vector<128x128xi32>
    %and3A_114 = arith.andi %eq3A_110, %ge3A_113 : vector<128x128xi1>
    %or3A_115 = arith.ori %or3A_107, %and3A_114 : vector<128x128xi1>
    %roll3A_116 = arith.constant 16 : i32
    %roll3A_117 = tpu.dynamic_rotate %get3A_1 by %roll3A_116 dim 1 : vector<128x128xi32>, i32 -> vector<128x128xi32>
    %eq3A_118 = arith.cmpi eq, %get3A_1, %roll3A_117 : vector<128x128xi32>
    %ge3A_119 = arith.constant 16 : i32
    %ge3A_120 = vector.broadcast %ge3A_119 : i32 to vector<128x128xi32>
    %ge3A_121 = arith.cmpi sge, %iota3A, %ge3A_120 : vector<128x128xi32>
    %and3A_122 = arith.andi %eq3A_118, %ge3A_121 : vector<128x128xi1>
    %or3A_123 = arith.ori %or3A_115, %and3A_122 : vector<128x128xi1>
    %roll3A_124 = arith.constant 17 : i32
    %roll3A_125 = tpu.dynamic_rotate %get3A_1 by %roll3A_124 dim 1 : vector<128x128xi32>, i32 -> vector<128x128xi32>
    %eq3A_126 = arith.cmpi eq, %get3A_1, %roll3A_125 : vector<128x128xi32>
    %ge3A_127 = arith.constant 17 : i32
    %ge3A_128 = vector.broadcast %ge3A_127 : i32 to vector<128x128xi32>
    %ge3A_129 = arith.cmpi sge, %iota3A, %ge3A_128 : vector<128x128xi32>
    %and3A_130 = arith.andi %eq3A_126, %ge3A_129 : vector<128x128xi1>
    %or3A_131 = arith.ori %or3A_123, %and3A_130 : vector<128x128xi1>
    %roll3A_132 = arith.constant 18 : i32
    %roll3A_133 = tpu.dynamic_rotate %get3A_1 by %roll3A_132 dim 1 : vector<128x128xi32>, i32 -> vector<128x128xi32>
    %eq3A_134 = arith.cmpi eq, %get3A_1, %roll3A_133 : vector<128x128xi32>
    %ge3A_135 = arith.constant 18 : i32
    %ge3A_136 = vector.broadcast %ge3A_135 : i32 to vector<128x128xi32>
    %ge3A_137 = arith.cmpi sge, %iota3A, %ge3A_136 : vector<128x128xi32>
    %and3A_138 = arith.andi %eq3A_134, %ge3A_137 : vector<128x128xi1>
    %or3A_139 = arith.ori %or3A_131, %and3A_138 : vector<128x128xi1>
    %roll3A_140 = arith.constant 19 : i32
    %roll3A_141 = tpu.dynamic_rotate %get3A_1 by %roll3A_140 dim 1 : vector<128x128xi32>, i32 -> vector<128x128xi32>
    %eq3A_142 = arith.cmpi eq, %get3A_1, %roll3A_141 : vector<128x128xi32>
    %ge3A_143 = arith.constant 19 : i32
    %ge3A_144 = vector.broadcast %ge3A_143 : i32 to vector<128x128xi32>
    %ge3A_145 = arith.cmpi sge, %iota3A, %ge3A_144 : vector<128x128xi32>
    %and3A_146 = arith.andi %eq3A_142, %ge3A_145 : vector<128x128xi1>
    %or3A_147 = arith.ori %or3A_139, %and3A_146 : vector<128x128xi1>
    %roll3A_148 = arith.constant 20 : i32
    %roll3A_149 = tpu.dynamic_rotate %get3A_1 by %roll3A_148 dim 1 : vector<128x128xi32>, i32 -> vector<128x128xi32>
    %eq3A_150 = arith.cmpi eq, %get3A_1, %roll3A_149 : vector<128x128xi32>
    %ge3A_151 = arith.constant 20 : i32
    %ge3A_152 = vector.broadcast %ge3A_151 : i32 to vector<128x128xi32>
    %ge3A_153 = arith.cmpi sge, %iota3A, %ge3A_152 : vector<128x128xi32>
    %and3A_154 = arith.andi %eq3A_150, %ge3A_153 : vector<128x128xi1>
    %or3A_155 = arith.ori %or3A_147, %and3A_154 : vector<128x128xi1>
    %roll3A_156 = arith.constant 21 : i32
    %roll3A_157 = tpu.dynamic_rotate %get3A_1 by %roll3A_156 dim 1 : vector<128x128xi32>, i32 -> vector<128x128xi32>
    %eq3A_158 = arith.cmpi eq, %get3A_1, %roll3A_157 : vector<128x128xi32>
    %ge3A_159 = arith.constant 21 : i32
    %ge3A_160 = vector.broadcast %ge3A_159 : i32 to vector<128x128xi32>
    %ge3A_161 = arith.cmpi sge, %iota3A, %ge3A_160 : vector<128x128xi32>
    %and3A_162 = arith.andi %eq3A_158, %ge3A_161 : vector<128x128xi1>
    %or3A_163 = arith.ori %or3A_155, %and3A_162 : vector<128x128xi1>
    %roll3A_164 = arith.constant 22 : i32
    %roll3A_165 = tpu.dynamic_rotate %get3A_1 by %roll3A_164 dim 1 : vector<128x128xi32>, i32 -> vector<128x128xi32>
    %eq3A_166 = arith.cmpi eq, %get3A_1, %roll3A_165 : vector<128x128xi32>
    %ge3A_167 = arith.constant 22 : i32
    %ge3A_168 = vector.broadcast %ge3A_167 : i32 to vector<128x128xi32>
    %ge3A_169 = arith.cmpi sge, %iota3A, %ge3A_168 : vector<128x128xi32>
    %and3A_170 = arith.andi %eq3A_166, %ge3A_169 : vector<128x128xi1>
    %or3A_171 = arith.ori %or3A_163, %and3A_170 : vector<128x128xi1>
    %roll3A_172 = arith.constant 23 : i32
    %roll3A_173 = tpu.dynamic_rotate %get3A_1 by %roll3A_172 dim 1 : vector<128x128xi32>, i32 -> vector<128x128xi32>
    %eq3A_174 = arith.cmpi eq, %get3A_1, %roll3A_173 : vector<128x128xi32>
    %ge3A_175 = arith.constant 23 : i32
    %ge3A_176 = vector.broadcast %ge3A_175 : i32 to vector<128x128xi32>
    %ge3A_177 = arith.cmpi sge, %iota3A, %ge3A_176 : vector<128x128xi32>
    %and3A_178 = arith.andi %eq3A_174, %ge3A_177 : vector<128x128xi1>
    %or3A_179 = arith.ori %or3A_171, %and3A_178 : vector<128x128xi1>
    %roll3A_180 = arith.constant 24 : i32
    %roll3A_181 = tpu.dynamic_rotate %get3A_1 by %roll3A_180 dim 1 : vector<128x128xi32>, i32 -> vector<128x128xi32>
    %eq3A_182 = arith.cmpi eq, %get3A_1, %roll3A_181 : vector<128x128xi32>
    %ge3A_183 = arith.constant 24 : i32
    %ge3A_184 = vector.broadcast %ge3A_183 : i32 to vector<128x128xi32>
    %ge3A_185 = arith.cmpi sge, %iota3A, %ge3A_184 : vector<128x128xi32>
    %and3A_186 = arith.andi %eq3A_182, %ge3A_185 : vector<128x128xi1>
    %or3A_187 = arith.ori %or3A_179, %and3A_186 : vector<128x128xi1>
    %roll3A_188 = arith.constant 25 : i32
    %roll3A_189 = tpu.dynamic_rotate %get3A_1 by %roll3A_188 dim 1 : vector<128x128xi32>, i32 -> vector<128x128xi32>
    %eq3A_190 = arith.cmpi eq, %get3A_1, %roll3A_189 : vector<128x128xi32>
    %ge3A_191 = arith.constant 25 : i32
    %ge3A_192 = vector.broadcast %ge3A_191 : i32 to vector<128x128xi32>
    %ge3A_193 = arith.cmpi sge, %iota3A, %ge3A_192 : vector<128x128xi32>
    %and3A_194 = arith.andi %eq3A_190, %ge3A_193 : vector<128x128xi1>
    %or3A_195 = arith.ori %or3A_187, %and3A_194 : vector<128x128xi1>
    %roll3A_196 = arith.constant 26 : i32
    %roll3A_197 = tpu.dynamic_rotate %get3A_1 by %roll3A_196 dim 1 : vector<128x128xi32>, i32 -> vector<128x128xi32>
    %eq3A_198 = arith.cmpi eq, %get3A_1, %roll3A_197 : vector<128x128xi32>
    %ge3A_199 = arith.constant 26 : i32
    %ge3A_200 = vector.broadcast %ge3A_199 : i32 to vector<128x128xi32>
    %ge3A_201 = arith.cmpi sge, %iota3A, %ge3A_200 : vector<128x128xi32>
    %and3A_202 = arith.andi %eq3A_198, %ge3A_201 : vector<128x128xi1>
    %or3A_203 = arith.ori %or3A_195, %and3A_202 : vector<128x128xi1>
    %roll3A_204 = arith.constant 27 : i32
    %roll3A_205 = tpu.dynamic_rotate %get3A_1 by %roll3A_204 dim 1 : vector<128x128xi32>, i32 -> vector<128x128xi32>
    %eq3A_206 = arith.cmpi eq, %get3A_1, %roll3A_205 : vector<128x128xi32>
    %ge3A_207 = arith.constant 27 : i32
    %ge3A_208 = vector.broadcast %ge3A_207 : i32 to vector<128x128xi32>
    %ge3A_209 = arith.cmpi sge, %iota3A, %ge3A_208 : vector<128x128xi32>
    %and3A_210 = arith.andi %eq3A_206, %ge3A_209 : vector<128x128xi1>
    %or3A_211 = arith.ori %or3A_203, %and3A_210 : vector<128x128xi1>
    %roll3A_212 = arith.constant 28 : i32
    %roll3A_213 = tpu.dynamic_rotate %get3A_1 by %roll3A_212 dim 1 : vector<128x128xi32>, i32 -> vector<128x128xi32>
    %eq3A_214 = arith.cmpi eq, %get3A_1, %roll3A_213 : vector<128x128xi32>
    %ge3A_215 = arith.constant 28 : i32
    %ge3A_216 = vector.broadcast %ge3A_215 : i32 to vector<128x128xi32>
    %ge3A_217 = arith.cmpi sge, %iota3A, %ge3A_216 : vector<128x128xi32>
    %and3A_218 = arith.andi %eq3A_214, %ge3A_217 : vector<128x128xi1>
    %or3A_219 = arith.ori %or3A_211, %and3A_218 : vector<128x128xi1>
    %roll3A_220 = arith.constant 29 : i32
    %roll3A_221 = tpu.dynamic_rotate %get3A_1 by %roll3A_220 dim 1 : vector<128x128xi32>, i32 -> vector<128x128xi32>
    %eq3A_222 = arith.cmpi eq, %get3A_1, %roll3A_221 : vector<128x128xi32>
    %ge3A_223 = arith.constant 29 : i32
    %ge3A_224 = vector.broadcast %ge3A_223 : i32 to vector<128x128xi32>
    %ge3A_225 = arith.cmpi sge, %iota3A, %ge3A_224 : vector<128x128xi32>
    %and3A_226 = arith.andi %eq3A_222, %ge3A_225 : vector<128x128xi1>
    %or3A_227 = arith.ori %or3A_219, %and3A_226 : vector<128x128xi1>
    %roll3A_228 = arith.constant 30 : i32
    %roll3A_229 = tpu.dynamic_rotate %get3A_1 by %roll3A_228 dim 1 : vector<128x128xi32>, i32 -> vector<128x128xi32>
    %eq3A_230 = arith.cmpi eq, %get3A_1, %roll3A_229 : vector<128x128xi32>
    %ge3A_231 = arith.constant 30 : i32
    %ge3A_232 = vector.broadcast %ge3A_231 : i32 to vector<128x128xi32>
    %ge3A_233 = arith.cmpi sge, %iota3A, %ge3A_232 : vector<128x128xi32>
    %and3A_234 = arith.andi %eq3A_230, %ge3A_233 : vector<128x128xi1>
    %or3A_235 = arith.ori %or3A_227, %and3A_234 : vector<128x128xi1>
    %roll3A_236 = arith.constant 31 : i32
    %roll3A_237 = tpu.dynamic_rotate %get3A_1 by %roll3A_236 dim 1 : vector<128x128xi32>, i32 -> vector<128x128xi32>
    %eq3A_238 = arith.cmpi eq, %get3A_1, %roll3A_237 : vector<128x128xi32>
    %ge3A_239 = arith.constant 31 : i32
    %ge3A_240 = vector.broadcast %ge3A_239 : i32 to vector<128x128xi32>
    %ge3A_241 = arith.cmpi sge, %iota3A, %ge3A_240 : vector<128x128xi32>
    %and3A_242 = arith.andi %eq3A_238, %ge3A_241 : vector<128x128xi1>
    %or3A_243 = arith.ori %or3A_235, %and3A_242 : vector<128x128xi1>
    %roll3A_244 = arith.constant 32 : i32
    %roll3A_245 = tpu.dynamic_rotate %get3A_1 by %roll3A_244 dim 1 : vector<128x128xi32>, i32 -> vector<128x128xi32>
    %eq3A_246 = arith.cmpi eq, %get3A_1, %roll3A_245 : vector<128x128xi32>
    %ge3A_247 = arith.constant 32 : i32
    %ge3A_248 = vector.broadcast %ge3A_247 : i32 to vector<128x128xi32>
    %ge3A_249 = arith.cmpi sge, %iota3A, %ge3A_248 : vector<128x128xi32>
    %and3A_250 = arith.andi %eq3A_246, %ge3A_249 : vector<128x128xi1>
    %or3A_251 = arith.ori %or3A_243, %and3A_250 : vector<128x128xi1>
    %roll3A_252 = arith.constant 33 : i32
    %roll3A_253 = tpu.dynamic_rotate %get3A_1 by %roll3A_252 dim 1 : vector<128x128xi32>, i32 -> vector<128x128xi32>
    %eq3A_254 = arith.cmpi eq, %get3A_1, %roll3A_253 : vector<128x128xi32>
    %ge3A_255 = arith.constant 33 : i32
    %ge3A_256 = vector.broadcast %ge3A_255 : i32 to vector<128x128xi32>
    %ge3A_257 = arith.cmpi sge, %iota3A, %ge3A_256 : vector<128x128xi32>
    %and3A_258 = arith.andi %eq3A_254, %ge3A_257 : vector<128x128xi1>
    %or3A_259 = arith.ori %or3A_251, %and3A_258 : vector<128x128xi1>
    %roll3A_260 = arith.constant 34 : i32
    %roll3A_261 = tpu.dynamic_rotate %get3A_1 by %roll3A_260 dim 1 : vector<128x128xi32>, i32 -> vector<128x128xi32>
    %eq3A_262 = arith.cmpi eq, %get3A_1, %roll3A_261 : vector<128x128xi32>
    %ge3A_263 = arith.constant 34 : i32
    %ge3A_264 = vector.broadcast %ge3A_263 : i32 to vector<128x128xi32>
    %ge3A_265 = arith.cmpi sge, %iota3A, %ge3A_264 : vector<128x128xi32>
    %and3A_266 = arith.andi %eq3A_262, %ge3A_265 : vector<128x128xi1>
    %or3A_267 = arith.ori %or3A_259, %and3A_266 : vector<128x128xi1>
    %roll3A_268 = arith.constant 35 : i32
    %roll3A_269 = tpu.dynamic_rotate %get3A_1 by %roll3A_268 dim 1 : vector<128x128xi32>, i32 -> vector<128x128xi32>
    %eq3A_270 = arith.cmpi eq, %get3A_1, %roll3A_269 : vector<128x128xi32>
    %ge3A_271 = arith.constant 35 : i32
    %ge3A_272 = vector.broadcast %ge3A_271 : i32 to vector<128x128xi32>
    %ge3A_273 = arith.cmpi sge, %iota3A, %ge3A_272 : vector<128x128xi32>
    %and3A_274 = arith.andi %eq3A_270, %ge3A_273 : vector<128x128xi1>
    %or3A_275 = arith.ori %or3A_267, %and3A_274 : vector<128x128xi1>
    %roll3A_276 = arith.constant 36 : i32
    %roll3A_277 = tpu.dynamic_rotate %get3A_1 by %roll3A_276 dim 1 : vector<128x128xi32>, i32 -> vector<128x128xi32>
    %eq3A_278 = arith.cmpi eq, %get3A_1, %roll3A_277 : vector<128x128xi32>
    %ge3A_279 = arith.constant 36 : i32
    %ge3A_280 = vector.broadcast %ge3A_279 : i32 to vector<128x128xi32>
    %ge3A_281 = arith.cmpi sge, %iota3A, %ge3A_280 : vector<128x128xi32>
    %and3A_282 = arith.andi %eq3A_278, %ge3A_281 : vector<128x128xi1>
    %or3A_283 = arith.ori %or3A_275, %and3A_282 : vector<128x128xi1>
    %roll3A_284 = arith.constant 37 : i32
    %roll3A_285 = tpu.dynamic_rotate %get3A_1 by %roll3A_284 dim 1 : vector<128x128xi32>, i32 -> vector<128x128xi32>
    %eq3A_286 = arith.cmpi eq, %get3A_1, %roll3A_285 : vector<128x128xi32>
    %ge3A_287 = arith.constant 37 : i32
    %ge3A_288 = vector.broadcast %ge3A_287 : i32 to vector<128x128xi32>
    %ge3A_289 = arith.cmpi sge, %iota3A, %ge3A_288 : vector<128x128xi32>
    %and3A_290 = arith.andi %eq3A_286, %ge3A_289 : vector<128x128xi1>
    %or3A_291 = arith.ori %or3A_283, %and3A_290 : vector<128x128xi1>
    %roll3A_292 = arith.constant 38 : i32
    %roll3A_293 = tpu.dynamic_rotate %get3A_1 by %roll3A_292 dim 1 : vector<128x128xi32>, i32 -> vector<128x128xi32>
    %eq3A_294 = arith.cmpi eq, %get3A_1, %roll3A_293 : vector<128x128xi32>
    %ge3A_295 = arith.constant 38 : i32
    %ge3A_296 = vector.broadcast %ge3A_295 : i32 to vector<128x128xi32>
    %ge3A_297 = arith.cmpi sge, %iota3A, %ge3A_296 : vector<128x128xi32>
    %and3A_298 = arith.andi %eq3A_294, %ge3A_297 : vector<128x128xi1>
    %or3A_299 = arith.ori %or3A_291, %and3A_298 : vector<128x128xi1>
    %roll3A_300 = arith.constant 39 : i32
    %roll3A_301 = tpu.dynamic_rotate %get3A_1 by %roll3A_300 dim 1 : vector<128x128xi32>, i32 -> vector<128x128xi32>
    %eq3A_302 = arith.cmpi eq, %get3A_1, %roll3A_301 : vector<128x128xi32>
    %ge3A_303 = arith.constant 39 : i32
    %ge3A_304 = vector.broadcast %ge3A_303 : i32 to vector<128x128xi32>
    %ge3A_305 = arith.cmpi sge, %iota3A, %ge3A_304 : vector<128x128xi32>
    %and3A_306 = arith.andi %eq3A_302, %ge3A_305 : vector<128x128xi1>
    %or3A_307 = arith.ori %or3A_299, %and3A_306 : vector<128x128xi1>
    %roll3A_308 = arith.constant 40 : i32
    %roll3A_309 = tpu.dynamic_rotate %get3A_1 by %roll3A_308 dim 1 : vector<128x128xi32>, i32 -> vector<128x128xi32>
    %eq3A_310 = arith.cmpi eq, %get3A_1, %roll3A_309 : vector<128x128xi32>
    %ge3A_311 = arith.constant 40 : i32
    %ge3A_312 = vector.broadcast %ge3A_311 : i32 to vector<128x128xi32>
    %ge3A_313 = arith.cmpi sge, %iota3A, %ge3A_312 : vector<128x128xi32>
    %and3A_314 = arith.andi %eq3A_310, %ge3A_313 : vector<128x128xi1>
    %or3A_315 = arith.ori %or3A_307, %and3A_314 : vector<128x128xi1>
    %roll3A_316 = arith.constant 41 : i32
    %roll3A_317 = tpu.dynamic_rotate %get3A_1 by %roll3A_316 dim 1 : vector<128x128xi32>, i32 -> vector<128x128xi32>
    %eq3A_318 = arith.cmpi eq, %get3A_1, %roll3A_317 : vector<128x128xi32>
    %ge3A_319 = arith.constant 41 : i32
    %ge3A_320 = vector.broadcast %ge3A_319 : i32 to vector<128x128xi32>
    %ge3A_321 = arith.cmpi sge, %iota3A, %ge3A_320 : vector<128x128xi32>
    %and3A_322 = arith.andi %eq3A_318, %ge3A_321 : vector<128x128xi1>
    %or3A_323 = arith.ori %or3A_315, %and3A_322 : vector<128x128xi1>
    %roll3A_324 = arith.constant 42 : i32
    %roll3A_325 = tpu.dynamic_rotate %get3A_1 by %roll3A_324 dim 1 : vector<128x128xi32>, i32 -> vector<128x128xi32>
    %eq3A_326 = arith.cmpi eq, %get3A_1, %roll3A_325 : vector<128x128xi32>
    %ge3A_327 = arith.constant 42 : i32
    %ge3A_328 = vector.broadcast %ge3A_327 : i32 to vector<128x128xi32>
    %ge3A_329 = arith.cmpi sge, %iota3A, %ge3A_328 : vector<128x128xi32>
    %and3A_330 = arith.andi %eq3A_326, %ge3A_329 : vector<128x128xi1>
    %or3A_331 = arith.ori %or3A_323, %and3A_330 : vector<128x128xi1>
    %roll3A_332 = arith.constant 43 : i32
    %roll3A_333 = tpu.dynamic_rotate %get3A_1 by %roll3A_332 dim 1 : vector<128x128xi32>, i32 -> vector<128x128xi32>
    %eq3A_334 = arith.cmpi eq, %get3A_1, %roll3A_333 : vector<128x128xi32>
    %ge3A_335 = arith.constant 43 : i32
    %ge3A_336 = vector.broadcast %ge3A_335 : i32 to vector<128x128xi32>
    %ge3A_337 = arith.cmpi sge, %iota3A, %ge3A_336 : vector<128x128xi32>
    %and3A_338 = arith.andi %eq3A_334, %ge3A_337 : vector<128x128xi1>
    %or3A_339 = arith.ori %or3A_331, %and3A_338 : vector<128x128xi1>
    %roll3A_340 = arith.constant 44 : i32
    %roll3A_341 = tpu.dynamic_rotate %get3A_1 by %roll3A_340 dim 1 : vector<128x128xi32>, i32 -> vector<128x128xi32>
    %eq3A_342 = arith.cmpi eq, %get3A_1, %roll3A_341 : vector<128x128xi32>
    %ge3A_343 = arith.constant 44 : i32
    %ge3A_344 = vector.broadcast %ge3A_343 : i32 to vector<128x128xi32>
    %ge3A_345 = arith.cmpi sge, %iota3A, %ge3A_344 : vector<128x128xi32>
    %and3A_346 = arith.andi %eq3A_342, %ge3A_345 : vector<128x128xi1>
    %or3A_347 = arith.ori %or3A_339, %and3A_346 : vector<128x128xi1>
    %roll3A_348 = arith.constant 45 : i32
    %roll3A_349 = tpu.dynamic_rotate %get3A_1 by %roll3A_348 dim 1 : vector<128x128xi32>, i32 -> vector<128x128xi32>
    %eq3A_350 = arith.cmpi eq, %get3A_1, %roll3A_349 : vector<128x128xi32>
    %ge3A_351 = arith.constant 45 : i32
    %ge3A_352 = vector.broadcast %ge3A_351 : i32 to vector<128x128xi32>
    %ge3A_353 = arith.cmpi sge, %iota3A, %ge3A_352 : vector<128x128xi32>
    %and3A_354 = arith.andi %eq3A_350, %ge3A_353 : vector<128x128xi1>
    %or3A_355 = arith.ori %or3A_347, %and3A_354 : vector<128x128xi1>
    %roll3A_356 = arith.constant 46 : i32
    %roll3A_357 = tpu.dynamic_rotate %get3A_1 by %roll3A_356 dim 1 : vector<128x128xi32>, i32 -> vector<128x128xi32>
    %eq3A_358 = arith.cmpi eq, %get3A_1, %roll3A_357 : vector<128x128xi32>
    %ge3A_359 = arith.constant 46 : i32
    %ge3A_360 = vector.broadcast %ge3A_359 : i32 to vector<128x128xi32>
    %ge3A_361 = arith.cmpi sge, %iota3A, %ge3A_360 : vector<128x128xi32>
    %and3A_362 = arith.andi %eq3A_358, %ge3A_361 : vector<128x128xi1>
    %or3A_363 = arith.ori %or3A_355, %and3A_362 : vector<128x128xi1>
    %roll3A_364 = arith.constant 47 : i32
    %roll3A_365 = tpu.dynamic_rotate %get3A_1 by %roll3A_364 dim 1 : vector<128x128xi32>, i32 -> vector<128x128xi32>
    %eq3A_366 = arith.cmpi eq, %get3A_1, %roll3A_365 : vector<128x128xi32>
    %ge3A_367 = arith.constant 47 : i32
    %ge3A_368 = vector.broadcast %ge3A_367 : i32 to vector<128x128xi32>
    %ge3A_369 = arith.cmpi sge, %iota3A, %ge3A_368 : vector<128x128xi32>
    %and3A_370 = arith.andi %eq3A_366, %ge3A_369 : vector<128x128xi1>
    %or3A_371 = arith.ori %or3A_363, %and3A_370 : vector<128x128xi1>
    %roll3A_372 = arith.constant 48 : i32
    %roll3A_373 = tpu.dynamic_rotate %get3A_1 by %roll3A_372 dim 1 : vector<128x128xi32>, i32 -> vector<128x128xi32>
    %eq3A_374 = arith.cmpi eq, %get3A_1, %roll3A_373 : vector<128x128xi32>
    %ge3A_375 = arith.constant 48 : i32
    %ge3A_376 = vector.broadcast %ge3A_375 : i32 to vector<128x128xi32>
    %ge3A_377 = arith.cmpi sge, %iota3A, %ge3A_376 : vector<128x128xi32>
    %and3A_378 = arith.andi %eq3A_374, %ge3A_377 : vector<128x128xi1>
    %or3A_379 = arith.ori %or3A_371, %and3A_378 : vector<128x128xi1>
    %roll3A_380 = arith.constant 49 : i32
    %roll3A_381 = tpu.dynamic_rotate %get3A_1 by %roll3A_380 dim 1 : vector<128x128xi32>, i32 -> vector<128x128xi32>
    %eq3A_382 = arith.cmpi eq, %get3A_1, %roll3A_381 : vector<128x128xi32>
    %ge3A_383 = arith.constant 49 : i32
    %ge3A_384 = vector.broadcast %ge3A_383 : i32 to vector<128x128xi32>
    %ge3A_385 = arith.cmpi sge, %iota3A, %ge3A_384 : vector<128x128xi32>
    %and3A_386 = arith.andi %eq3A_382, %ge3A_385 : vector<128x128xi1>
    %or3A_387 = arith.ori %or3A_379, %and3A_386 : vector<128x128xi1>
    %roll3A_388 = arith.constant 50 : i32
    %roll3A_389 = tpu.dynamic_rotate %get3A_1 by %roll3A_388 dim 1 : vector<128x128xi32>, i32 -> vector<128x128xi32>
    %eq3A_390 = arith.cmpi eq, %get3A_1, %roll3A_389 : vector<128x128xi32>
    %ge3A_391 = arith.constant 50 : i32
    %ge3A_392 = vector.broadcast %ge3A_391 : i32 to vector<128x128xi32>
    %ge3A_393 = arith.cmpi sge, %iota3A, %ge3A_392 : vector<128x128xi32>
    %and3A_394 = arith.andi %eq3A_390, %ge3A_393 : vector<128x128xi1>
    %or3A_395 = arith.ori %or3A_387, %and3A_394 : vector<128x128xi1>
    %roll3A_396 = arith.constant 51 : i32
    %roll3A_397 = tpu.dynamic_rotate %get3A_1 by %roll3A_396 dim 1 : vector<128x128xi32>, i32 -> vector<128x128xi32>
    %eq3A_398 = arith.cmpi eq, %get3A_1, %roll3A_397 : vector<128x128xi32>
    %ge3A_399 = arith.constant 51 : i32
    %ge3A_400 = vector.broadcast %ge3A_399 : i32 to vector<128x128xi32>
    %ge3A_401 = arith.cmpi sge, %iota3A, %ge3A_400 : vector<128x128xi32>
    %and3A_402 = arith.andi %eq3A_398, %ge3A_401 : vector<128x128xi1>
    %or3A_403 = arith.ori %or3A_395, %and3A_402 : vector<128x128xi1>
    %roll3A_404 = arith.constant 52 : i32
    %roll3A_405 = tpu.dynamic_rotate %get3A_1 by %roll3A_404 dim 1 : vector<128x128xi32>, i32 -> vector<128x128xi32>
    %eq3A_406 = arith.cmpi eq, %get3A_1, %roll3A_405 : vector<128x128xi32>
    %ge3A_407 = arith.constant 52 : i32
    %ge3A_408 = vector.broadcast %ge3A_407 : i32 to vector<128x128xi32>
    %ge3A_409 = arith.cmpi sge, %iota3A, %ge3A_408 : vector<128x128xi32>
    %and3A_410 = arith.andi %eq3A_406, %ge3A_409 : vector<128x128xi1>
    %or3A_411 = arith.ori %or3A_403, %and3A_410 : vector<128x128xi1>
    %roll3A_412 = arith.constant 53 : i32
    %roll3A_413 = tpu.dynamic_rotate %get3A_1 by %roll3A_412 dim 1 : vector<128x128xi32>, i32 -> vector<128x128xi32>
    %eq3A_414 = arith.cmpi eq, %get3A_1, %roll3A_413 : vector<128x128xi32>
    %ge3A_415 = arith.constant 53 : i32
    %ge3A_416 = vector.broadcast %ge3A_415 : i32 to vector<128x128xi32>
    %ge3A_417 = arith.cmpi sge, %iota3A, %ge3A_416 : vector<128x128xi32>
    %and3A_418 = arith.andi %eq3A_414, %ge3A_417 : vector<128x128xi1>
    %or3A_419 = arith.ori %or3A_411, %and3A_418 : vector<128x128xi1>
    %roll3A_420 = arith.constant 54 : i32
    %roll3A_421 = tpu.dynamic_rotate %get3A_1 by %roll3A_420 dim 1 : vector<128x128xi32>, i32 -> vector<128x128xi32>
    %eq3A_422 = arith.cmpi eq, %get3A_1, %roll3A_421 : vector<128x128xi32>
    %ge3A_423 = arith.constant 54 : i32
    %ge3A_424 = vector.broadcast %ge3A_423 : i32 to vector<128x128xi32>
    %ge3A_425 = arith.cmpi sge, %iota3A, %ge3A_424 : vector<128x128xi32>
    %and3A_426 = arith.andi %eq3A_422, %ge3A_425 : vector<128x128xi1>
    %or3A_427 = arith.ori %or3A_419, %and3A_426 : vector<128x128xi1>
    %roll3A_428 = arith.constant 55 : i32
    %roll3A_429 = tpu.dynamic_rotate %get3A_1 by %roll3A_428 dim 1 : vector<128x128xi32>, i32 -> vector<128x128xi32>
    %eq3A_430 = arith.cmpi eq, %get3A_1, %roll3A_429 : vector<128x128xi32>
    %ge3A_431 = arith.constant 55 : i32
    %ge3A_432 = vector.broadcast %ge3A_431 : i32 to vector<128x128xi32>
    %ge3A_433 = arith.cmpi sge, %iota3A, %ge3A_432 : vector<128x128xi32>
    %and3A_434 = arith.andi %eq3A_430, %ge3A_433 : vector<128x128xi1>
    %or3A_435 = arith.ori %or3A_427, %and3A_434 : vector<128x128xi1>
    %roll3A_436 = arith.constant 56 : i32
    %roll3A_437 = tpu.dynamic_rotate %get3A_1 by %roll3A_436 dim 1 : vector<128x128xi32>, i32 -> vector<128x128xi32>
    %eq3A_438 = arith.cmpi eq, %get3A_1, %roll3A_437 : vector<128x128xi32>
    %ge3A_439 = arith.constant 56 : i32
    %ge3A_440 = vector.broadcast %ge3A_439 : i32 to vector<128x128xi32>
    %ge3A_441 = arith.cmpi sge, %iota3A, %ge3A_440 : vector<128x128xi32>
    %and3A_442 = arith.andi %eq3A_438, %ge3A_441 : vector<128x128xi1>
    %or3A_443 = arith.ori %or3A_435, %and3A_442 : vector<128x128xi1>
    %roll3A_444 = arith.constant 57 : i32
    %roll3A_445 = tpu.dynamic_rotate %get3A_1 by %roll3A_444 dim 1 : vector<128x128xi32>, i32 -> vector<128x128xi32>
    %eq3A_446 = arith.cmpi eq, %get3A_1, %roll3A_445 : vector<128x128xi32>
    %ge3A_447 = arith.constant 57 : i32
    %ge3A_448 = vector.broadcast %ge3A_447 : i32 to vector<128x128xi32>
    %ge3A_449 = arith.cmpi sge, %iota3A, %ge3A_448 : vector<128x128xi32>
    %and3A_450 = arith.andi %eq3A_446, %ge3A_449 : vector<128x128xi1>
    %or3A_451 = arith.ori %or3A_443, %and3A_450 : vector<128x128xi1>
    %roll3A_452 = arith.constant 58 : i32
    %roll3A_453 = tpu.dynamic_rotate %get3A_1 by %roll3A_452 dim 1 : vector<128x128xi32>, i32 -> vector<128x128xi32>
    %eq3A_454 = arith.cmpi eq, %get3A_1, %roll3A_453 : vector<128x128xi32>
    %ge3A_455 = arith.constant 58 : i32
    %ge3A_456 = vector.broadcast %ge3A_455 : i32 to vector<128x128xi32>
    %ge3A_457 = arith.cmpi sge, %iota3A, %ge3A_456 : vector<128x128xi32>
    %and3A_458 = arith.andi %eq3A_454, %ge3A_457 : vector<128x128xi1>
    %or3A_459 = arith.ori %or3A_451, %and3A_458 : vector<128x128xi1>
    %roll3A_460 = arith.constant 59 : i32
    %roll3A_461 = tpu.dynamic_rotate %get3A_1 by %roll3A_460 dim 1 : vector<128x128xi32>, i32 -> vector<128x128xi32>
    %eq3A_462 = arith.cmpi eq, %get3A_1, %roll3A_461 : vector<128x128xi32>
    %ge3A_463 = arith.constant 59 : i32
    %ge3A_464 = vector.broadcast %ge3A_463 : i32 to vector<128x128xi32>
    %ge3A_465 = arith.cmpi sge, %iota3A, %ge3A_464 : vector<128x128xi32>
    %and3A_466 = arith.andi %eq3A_462, %ge3A_465 : vector<128x128xi1>
    %or3A_467 = arith.ori %or3A_459, %and3A_466 : vector<128x128xi1>
    %roll3A_468 = arith.constant 60 : i32
    %roll3A_469 = tpu.dynamic_rotate %get3A_1 by %roll3A_468 dim 1 : vector<128x128xi32>, i32 -> vector<128x128xi32>
    %eq3A_470 = arith.cmpi eq, %get3A_1, %roll3A_469 : vector<128x128xi32>
    %ge3A_471 = arith.constant 60 : i32
    %ge3A_472 = vector.broadcast %ge3A_471 : i32 to vector<128x128xi32>
    %ge3A_473 = arith.cmpi sge, %iota3A, %ge3A_472 : vector<128x128xi32>
    %and3A_474 = arith.andi %eq3A_470, %ge3A_473 : vector<128x128xi1>
    %or3A_475 = arith.ori %or3A_467, %and3A_474 : vector<128x128xi1>
    %roll3A_476 = arith.constant 61 : i32
    %roll3A_477 = tpu.dynamic_rotate %get3A_1 by %roll3A_476 dim 1 : vector<128x128xi32>, i32 -> vector<128x128xi32>
    %eq3A_478 = arith.cmpi eq, %get3A_1, %roll3A_477 : vector<128x128xi32>
    %ge3A_479 = arith.constant 61 : i32
    %ge3A_480 = vector.broadcast %ge3A_479 : i32 to vector<128x128xi32>
    %ge3A_481 = arith.cmpi sge, %iota3A, %ge3A_480 : vector<128x128xi32>
    %and3A_482 = arith.andi %eq3A_478, %ge3A_481 : vector<128x128xi1>
    %or3A_483 = arith.ori %or3A_475, %and3A_482 : vector<128x128xi1>
    %roll3A_484 = arith.constant 62 : i32
    %roll3A_485 = tpu.dynamic_rotate %get3A_1 by %roll3A_484 dim 1 : vector<128x128xi32>, i32 -> vector<128x128xi32>
    %eq3A_486 = arith.cmpi eq, %get3A_1, %roll3A_485 : vector<128x128xi32>
    %ge3A_487 = arith.constant 62 : i32
    %ge3A_488 = vector.broadcast %ge3A_487 : i32 to vector<128x128xi32>
    %ge3A_489 = arith.cmpi sge, %iota3A, %ge3A_488 : vector<128x128xi32>
    %and3A_490 = arith.andi %eq3A_486, %ge3A_489 : vector<128x128xi1>
    %or3A_491 = arith.ori %or3A_483, %and3A_490 : vector<128x128xi1>
    %roll3A_492 = arith.constant 63 : i32
    %roll3A_493 = tpu.dynamic_rotate %get3A_1 by %roll3A_492 dim 1 : vector<128x128xi32>, i32 -> vector<128x128xi32>
    %eq3A_494 = arith.cmpi eq, %get3A_1, %roll3A_493 : vector<128x128xi32>
    %ge3A_495 = arith.constant 63 : i32
    %ge3A_496 = vector.broadcast %ge3A_495 : i32 to vector<128x128xi32>
    %ge3A_497 = arith.cmpi sge, %iota3A, %ge3A_496 : vector<128x128xi32>
    %and3A_498 = arith.andi %eq3A_494, %ge3A_497 : vector<128x128xi1>
    %or3A_499 = arith.ori %or3A_491, %and3A_498 : vector<128x128xi1>
    %roll3A_500 = arith.constant 64 : i32
    %roll3A_501 = tpu.dynamic_rotate %get3A_1 by %roll3A_500 dim 1 : vector<128x128xi32>, i32 -> vector<128x128xi32>
    %eq3A_502 = arith.cmpi eq, %get3A_1, %roll3A_501 : vector<128x128xi32>
    %ge3A_503 = arith.constant 64 : i32
    %ge3A_504 = vector.broadcast %ge3A_503 : i32 to vector<128x128xi32>
    %ge3A_505 = arith.cmpi sge, %iota3A, %ge3A_504 : vector<128x128xi32>
    %and3A_506 = arith.andi %eq3A_502, %ge3A_505 : vector<128x128xi1>
    %or3A_507 = arith.ori %or3A_499, %and3A_506 : vector<128x128xi1>
    %roll3A_508 = arith.constant 65 : i32
    %roll3A_509 = tpu.dynamic_rotate %get3A_1 by %roll3A_508 dim 1 : vector<128x128xi32>, i32 -> vector<128x128xi32>
    %eq3A_510 = arith.cmpi eq, %get3A_1, %roll3A_509 : vector<128x128xi32>
    %ge3A_511 = arith.constant 65 : i32
    %ge3A_512 = vector.broadcast %ge3A_511 : i32 to vector<128x128xi32>
    %ge3A_513 = arith.cmpi sge, %iota3A, %ge3A_512 : vector<128x128xi32>
    %and3A_514 = arith.andi %eq3A_510, %ge3A_513 : vector<128x128xi1>
    %or3A_515 = arith.ori %or3A_507, %and3A_514 : vector<128x128xi1>
    %roll3A_516 = arith.constant 66 : i32
    %roll3A_517 = tpu.dynamic_rotate %get3A_1 by %roll3A_516 dim 1 : vector<128x128xi32>, i32 -> vector<128x128xi32>
    %eq3A_518 = arith.cmpi eq, %get3A_1, %roll3A_517 : vector<128x128xi32>
    %ge3A_519 = arith.constant 66 : i32
    %ge3A_520 = vector.broadcast %ge3A_519 : i32 to vector<128x128xi32>
    %ge3A_521 = arith.cmpi sge, %iota3A, %ge3A_520 : vector<128x128xi32>
    %and3A_522 = arith.andi %eq3A_518, %ge3A_521 : vector<128x128xi1>
    %or3A_523 = arith.ori %or3A_515, %and3A_522 : vector<128x128xi1>
    %roll3A_524 = arith.constant 67 : i32
    %roll3A_525 = tpu.dynamic_rotate %get3A_1 by %roll3A_524 dim 1 : vector<128x128xi32>, i32 -> vector<128x128xi32>
    %eq3A_526 = arith.cmpi eq, %get3A_1, %roll3A_525 : vector<128x128xi32>
    %ge3A_527 = arith.constant 67 : i32
    %ge3A_528 = vector.broadcast %ge3A_527 : i32 to vector<128x128xi32>
    %ge3A_529 = arith.cmpi sge, %iota3A, %ge3A_528 : vector<128x128xi32>
    %and3A_530 = arith.andi %eq3A_526, %ge3A_529 : vector<128x128xi1>
    %or3A_531 = arith.ori %or3A_523, %and3A_530 : vector<128x128xi1>
    %roll3A_532 = arith.constant 68 : i32
    %roll3A_533 = tpu.dynamic_rotate %get3A_1 by %roll3A_532 dim 1 : vector<128x128xi32>, i32 -> vector<128x128xi32>
    %eq3A_534 = arith.cmpi eq, %get3A_1, %roll3A_533 : vector<128x128xi32>
    %ge3A_535 = arith.constant 68 : i32
    %ge3A_536 = vector.broadcast %ge3A_535 : i32 to vector<128x128xi32>
    %ge3A_537 = arith.cmpi sge, %iota3A, %ge3A_536 : vector<128x128xi32>
    %and3A_538 = arith.andi %eq3A_534, %ge3A_537 : vector<128x128xi1>
    %or3A_539 = arith.ori %or3A_531, %and3A_538 : vector<128x128xi1>
    %roll3A_540 = arith.constant 69 : i32
    %roll3A_541 = tpu.dynamic_rotate %get3A_1 by %roll3A_540 dim 1 : vector<128x128xi32>, i32 -> vector<128x128xi32>
    %eq3A_542 = arith.cmpi eq, %get3A_1, %roll3A_541 : vector<128x128xi32>
    %ge3A_543 = arith.constant 69 : i32
    %ge3A_544 = vector.broadcast %ge3A_543 : i32 to vector<128x128xi32>
    %ge3A_545 = arith.cmpi sge, %iota3A, %ge3A_544 : vector<128x128xi32>
    %and3A_546 = arith.andi %eq3A_542, %ge3A_545 : vector<128x128xi1>
    %or3A_547 = arith.ori %or3A_539, %and3A_546 : vector<128x128xi1>
    %roll3A_548 = arith.constant 70 : i32
    %roll3A_549 = tpu.dynamic_rotate %get3A_1 by %roll3A_548 dim 1 : vector<128x128xi32>, i32 -> vector<128x128xi32>
    %eq3A_550 = arith.cmpi eq, %get3A_1, %roll3A_549 : vector<128x128xi32>
    %ge3A_551 = arith.constant 70 : i32
    %ge3A_552 = vector.broadcast %ge3A_551 : i32 to vector<128x128xi32>
    %ge3A_553 = arith.cmpi sge, %iota3A, %ge3A_552 : vector<128x128xi32>
    %and3A_554 = arith.andi %eq3A_550, %ge3A_553 : vector<128x128xi1>
    %or3A_555 = arith.ori %or3A_547, %and3A_554 : vector<128x128xi1>
    %roll3A_556 = arith.constant 71 : i32
    %roll3A_557 = tpu.dynamic_rotate %get3A_1 by %roll3A_556 dim 1 : vector<128x128xi32>, i32 -> vector<128x128xi32>
    %eq3A_558 = arith.cmpi eq, %get3A_1, %roll3A_557 : vector<128x128xi32>
    %ge3A_559 = arith.constant 71 : i32
    %ge3A_560 = vector.broadcast %ge3A_559 : i32 to vector<128x128xi32>
    %ge3A_561 = arith.cmpi sge, %iota3A, %ge3A_560 : vector<128x128xi32>
    %and3A_562 = arith.andi %eq3A_558, %ge3A_561 : vector<128x128xi1>
    %or3A_563 = arith.ori %or3A_555, %and3A_562 : vector<128x128xi1>
    %roll3A_564 = arith.constant 72 : i32
    %roll3A_565 = tpu.dynamic_rotate %get3A_1 by %roll3A_564 dim 1 : vector<128x128xi32>, i32 -> vector<128x128xi32>
    %eq3A_566 = arith.cmpi eq, %get3A_1, %roll3A_565 : vector<128x128xi32>
    %ge3A_567 = arith.constant 72 : i32
    %ge3A_568 = vector.broadcast %ge3A_567 : i32 to vector<128x128xi32>
    %ge3A_569 = arith.cmpi sge, %iota3A, %ge3A_568 : vector<128x128xi32>
    %and3A_570 = arith.andi %eq3A_566, %ge3A_569 : vector<128x128xi1>
    %or3A_571 = arith.ori %or3A_563, %and3A_570 : vector<128x128xi1>
    %roll3A_572 = arith.constant 73 : i32
    %roll3A_573 = tpu.dynamic_rotate %get3A_1 by %roll3A_572 dim 1 : vector<128x128xi32>, i32 -> vector<128x128xi32>
    %eq3A_574 = arith.cmpi eq, %get3A_1, %roll3A_573 : vector<128x128xi32>
    %ge3A_575 = arith.constant 73 : i32
    %ge3A_576 = vector.broadcast %ge3A_575 : i32 to vector<128x128xi32>
    %ge3A_577 = arith.cmpi sge, %iota3A, %ge3A_576 : vector<128x128xi32>
    %and3A_578 = arith.andi %eq3A_574, %ge3A_577 : vector<128x128xi1>
    %or3A_579 = arith.ori %or3A_571, %and3A_578 : vector<128x128xi1>
    %roll3A_580 = arith.constant 74 : i32
    %roll3A_581 = tpu.dynamic_rotate %get3A_1 by %roll3A_580 dim 1 : vector<128x128xi32>, i32 -> vector<128x128xi32>
    %eq3A_582 = arith.cmpi eq, %get3A_1, %roll3A_581 : vector<128x128xi32>
    %ge3A_583 = arith.constant 74 : i32
    %ge3A_584 = vector.broadcast %ge3A_583 : i32 to vector<128x128xi32>
    %ge3A_585 = arith.cmpi sge, %iota3A, %ge3A_584 : vector<128x128xi32>
    %and3A_586 = arith.andi %eq3A_582, %ge3A_585 : vector<128x128xi1>
    %or3A_587 = arith.ori %or3A_579, %and3A_586 : vector<128x128xi1>
    %roll3A_588 = arith.constant 75 : i32
    %roll3A_589 = tpu.dynamic_rotate %get3A_1 by %roll3A_588 dim 1 : vector<128x128xi32>, i32 -> vector<128x128xi32>
    %eq3A_590 = arith.cmpi eq, %get3A_1, %roll3A_589 : vector<128x128xi32>
    %ge3A_591 = arith.constant 75 : i32
    %ge3A_592 = vector.broadcast %ge3A_591 : i32 to vector<128x128xi32>
    %ge3A_593 = arith.cmpi sge, %iota3A, %ge3A_592 : vector<128x128xi32>
    %and3A_594 = arith.andi %eq3A_590, %ge3A_593 : vector<128x128xi1>
    %or3A_595 = arith.ori %or3A_587, %and3A_594 : vector<128x128xi1>
    %roll3A_596 = arith.constant 76 : i32
    %roll3A_597 = tpu.dynamic_rotate %get3A_1 by %roll3A_596 dim 1 : vector<128x128xi32>, i32 -> vector<128x128xi32>
    %eq3A_598 = arith.cmpi eq, %get3A_1, %roll3A_597 : vector<128x128xi32>
    %ge3A_599 = arith.constant 76 : i32
    %ge3A_600 = vector.broadcast %ge3A_599 : i32 to vector<128x128xi32>
    %ge3A_601 = arith.cmpi sge, %iota3A, %ge3A_600 : vector<128x128xi32>
    %and3A_602 = arith.andi %eq3A_598, %ge3A_601 : vector<128x128xi1>
    %or3A_603 = arith.ori %or3A_595, %and3A_602 : vector<128x128xi1>
    %roll3A_604 = arith.constant 77 : i32
    %roll3A_605 = tpu.dynamic_rotate %get3A_1 by %roll3A_604 dim 1 : vector<128x128xi32>, i32 -> vector<128x128xi32>
    %eq3A_606 = arith.cmpi eq, %get3A_1, %roll3A_605 : vector<128x128xi32>
    %ge3A_607 = arith.constant 77 : i32
    %ge3A_608 = vector.broadcast %ge3A_607 : i32 to vector<128x128xi32>
    %ge3A_609 = arith.cmpi sge, %iota3A, %ge3A_608 : vector<128x128xi32>
    %and3A_610 = arith.andi %eq3A_606, %ge3A_609 : vector<128x128xi1>
    %or3A_611 = arith.ori %or3A_603, %and3A_610 : vector<128x128xi1>
    %roll3A_612 = arith.constant 78 : i32
    %roll3A_613 = tpu.dynamic_rotate %get3A_1 by %roll3A_612 dim 1 : vector<128x128xi32>, i32 -> vector<128x128xi32>
    %eq3A_614 = arith.cmpi eq, %get3A_1, %roll3A_613 : vector<128x128xi32>
    %ge3A_615 = arith.constant 78 : i32
    %ge3A_616 = vector.broadcast %ge3A_615 : i32 to vector<128x128xi32>
    %ge3A_617 = arith.cmpi sge, %iota3A, %ge3A_616 : vector<128x128xi32>
    %and3A_618 = arith.andi %eq3A_614, %ge3A_617 : vector<128x128xi1>
    %or3A_619 = arith.ori %or3A_611, %and3A_618 : vector<128x128xi1>
    %roll3A_620 = arith.constant 79 : i32
    %roll3A_621 = tpu.dynamic_rotate %get3A_1 by %roll3A_620 dim 1 : vector<128x128xi32>, i32 -> vector<128x128xi32>
    %eq3A_622 = arith.cmpi eq, %get3A_1, %roll3A_621 : vector<128x128xi32>
    %ge3A_623 = arith.constant 79 : i32
    %ge3A_624 = vector.broadcast %ge3A_623 : i32 to vector<128x128xi32>
    %ge3A_625 = arith.cmpi sge, %iota3A, %ge3A_624 : vector<128x128xi32>
    %and3A_626 = arith.andi %eq3A_622, %ge3A_625 : vector<128x128xi1>
    %or3A_627 = arith.ori %or3A_619, %and3A_626 : vector<128x128xi1>
    %roll3A_628 = arith.constant 80 : i32
    %roll3A_629 = tpu.dynamic_rotate %get3A_1 by %roll3A_628 dim 1 : vector<128x128xi32>, i32 -> vector<128x128xi32>
    %eq3A_630 = arith.cmpi eq, %get3A_1, %roll3A_629 : vector<128x128xi32>
    %ge3A_631 = arith.constant 80 : i32
    %ge3A_632 = vector.broadcast %ge3A_631 : i32 to vector<128x128xi32>
    %ge3A_633 = arith.cmpi sge, %iota3A, %ge3A_632 : vector<128x128xi32>
    %and3A_634 = arith.andi %eq3A_630, %ge3A_633 : vector<128x128xi1>
    %or3A_635 = arith.ori %or3A_627, %and3A_634 : vector<128x128xi1>
    %roll3A_636 = arith.constant 81 : i32
    %roll3A_637 = tpu.dynamic_rotate %get3A_1 by %roll3A_636 dim 1 : vector<128x128xi32>, i32 -> vector<128x128xi32>
    %eq3A_638 = arith.cmpi eq, %get3A_1, %roll3A_637 : vector<128x128xi32>
    %ge3A_639 = arith.constant 81 : i32
    %ge3A_640 = vector.broadcast %ge3A_639 : i32 to vector<128x128xi32>
    %ge3A_641 = arith.cmpi sge, %iota3A, %ge3A_640 : vector<128x128xi32>
    %and3A_642 = arith.andi %eq3A_638, %ge3A_641 : vector<128x128xi1>
    %or3A_643 = arith.ori %or3A_635, %and3A_642 : vector<128x128xi1>
    %roll3A_644 = arith.constant 82 : i32
    %roll3A_645 = tpu.dynamic_rotate %get3A_1 by %roll3A_644 dim 1 : vector<128x128xi32>, i32 -> vector<128x128xi32>
    %eq3A_646 = arith.cmpi eq, %get3A_1, %roll3A_645 : vector<128x128xi32>
    %ge3A_647 = arith.constant 82 : i32
    %ge3A_648 = vector.broadcast %ge3A_647 : i32 to vector<128x128xi32>
    %ge3A_649 = arith.cmpi sge, %iota3A, %ge3A_648 : vector<128x128xi32>
    %and3A_650 = arith.andi %eq3A_646, %ge3A_649 : vector<128x128xi1>
    %or3A_651 = arith.ori %or3A_643, %and3A_650 : vector<128x128xi1>
    %roll3A_652 = arith.constant 83 : i32
    %roll3A_653 = tpu.dynamic_rotate %get3A_1 by %roll3A_652 dim 1 : vector<128x128xi32>, i32 -> vector<128x128xi32>
    %eq3A_654 = arith.cmpi eq, %get3A_1, %roll3A_653 : vector<128x128xi32>
    %ge3A_655 = arith.constant 83 : i32
    %ge3A_656 = vector.broadcast %ge3A_655 : i32 to vector<128x128xi32>
    %ge3A_657 = arith.cmpi sge, %iota3A, %ge3A_656 : vector<128x128xi32>
    %and3A_658 = arith.andi %eq3A_654, %ge3A_657 : vector<128x128xi1>
    %or3A_659 = arith.ori %or3A_651, %and3A_658 : vector<128x128xi1>
    %roll3A_660 = arith.constant 84 : i32
    %roll3A_661 = tpu.dynamic_rotate %get3A_1 by %roll3A_660 dim 1 : vector<128x128xi32>, i32 -> vector<128x128xi32>
    %eq3A_662 = arith.cmpi eq, %get3A_1, %roll3A_661 : vector<128x128xi32>
    %ge3A_663 = arith.constant 84 : i32
    %ge3A_664 = vector.broadcast %ge3A_663 : i32 to vector<128x128xi32>
    %ge3A_665 = arith.cmpi sge, %iota3A, %ge3A_664 : vector<128x128xi32>
    %and3A_666 = arith.andi %eq3A_662, %ge3A_665 : vector<128x128xi1>
    %or3A_667 = arith.ori %or3A_659, %and3A_666 : vector<128x128xi1>
    %roll3A_668 = arith.constant 85 : i32
    %roll3A_669 = tpu.dynamic_rotate %get3A_1 by %roll3A_668 dim 1 : vector<128x128xi32>, i32 -> vector<128x128xi32>
    %eq3A_670 = arith.cmpi eq, %get3A_1, %roll3A_669 : vector<128x128xi32>
    %ge3A_671 = arith.constant 85 : i32
    %ge3A_672 = vector.broadcast %ge3A_671 : i32 to vector<128x128xi32>
    %ge3A_673 = arith.cmpi sge, %iota3A, %ge3A_672 : vector<128x128xi32>
    %and3A_674 = arith.andi %eq3A_670, %ge3A_673 : vector<128x128xi1>
    %or3A_675 = arith.ori %or3A_667, %and3A_674 : vector<128x128xi1>
    %roll3A_676 = arith.constant 86 : i32
    %roll3A_677 = tpu.dynamic_rotate %get3A_1 by %roll3A_676 dim 1 : vector<128x128xi32>, i32 -> vector<128x128xi32>
    %eq3A_678 = arith.cmpi eq, %get3A_1, %roll3A_677 : vector<128x128xi32>
    %ge3A_679 = arith.constant 86 : i32
    %ge3A_680 = vector.broadcast %ge3A_679 : i32 to vector<128x128xi32>
    %ge3A_681 = arith.cmpi sge, %iota3A, %ge3A_680 : vector<128x128xi32>
    %and3A_682 = arith.andi %eq3A_678, %ge3A_681 : vector<128x128xi1>
    %or3A_683 = arith.ori %or3A_675, %and3A_682 : vector<128x128xi1>
    %roll3A_684 = arith.constant 87 : i32
    %roll3A_685 = tpu.dynamic_rotate %get3A_1 by %roll3A_684 dim 1 : vector<128x128xi32>, i32 -> vector<128x128xi32>
    %eq3A_686 = arith.cmpi eq, %get3A_1, %roll3A_685 : vector<128x128xi32>
    %ge3A_687 = arith.constant 87 : i32
    %ge3A_688 = vector.broadcast %ge3A_687 : i32 to vector<128x128xi32>
    %ge3A_689 = arith.cmpi sge, %iota3A, %ge3A_688 : vector<128x128xi32>
    %and3A_690 = arith.andi %eq3A_686, %ge3A_689 : vector<128x128xi1>
    %or3A_691 = arith.ori %or3A_683, %and3A_690 : vector<128x128xi1>
    %roll3A_692 = arith.constant 88 : i32
    %roll3A_693 = tpu.dynamic_rotate %get3A_1 by %roll3A_692 dim 1 : vector<128x128xi32>, i32 -> vector<128x128xi32>
    %eq3A_694 = arith.cmpi eq, %get3A_1, %roll3A_693 : vector<128x128xi32>
    %ge3A_695 = arith.constant 88 : i32
    %ge3A_696 = vector.broadcast %ge3A_695 : i32 to vector<128x128xi32>
    %ge3A_697 = arith.cmpi sge, %iota3A, %ge3A_696 : vector<128x128xi32>
    %and3A_698 = arith.andi %eq3A_694, %ge3A_697 : vector<128x128xi1>
    %or3A_699 = arith.ori %or3A_691, %and3A_698 : vector<128x128xi1>
    %roll3A_700 = arith.constant 89 : i32
    %roll3A_701 = tpu.dynamic_rotate %get3A_1 by %roll3A_700 dim 1 : vector<128x128xi32>, i32 -> vector<128x128xi32>
    %eq3A_702 = arith.cmpi eq, %get3A_1, %roll3A_701 : vector<128x128xi32>
    %ge3A_703 = arith.constant 89 : i32
    %ge3A_704 = vector.broadcast %ge3A_703 : i32 to vector<128x128xi32>
    %ge3A_705 = arith.cmpi sge, %iota3A, %ge3A_704 : vector<128x128xi32>
    %and3A_706 = arith.andi %eq3A_702, %ge3A_705 : vector<128x128xi1>
    %or3A_707 = arith.ori %or3A_699, %and3A_706 : vector<128x128xi1>
    %roll3A_708 = arith.constant 90 : i32
    %roll3A_709 = tpu.dynamic_rotate %get3A_1 by %roll3A_708 dim 1 : vector<128x128xi32>, i32 -> vector<128x128xi32>
    %eq3A_710 = arith.cmpi eq, %get3A_1, %roll3A_709 : vector<128x128xi32>
    %ge3A_711 = arith.constant 90 : i32
    %ge3A_712 = vector.broadcast %ge3A_711 : i32 to vector<128x128xi32>
    %ge3A_713 = arith.cmpi sge, %iota3A, %ge3A_712 : vector<128x128xi32>
    %and3A_714 = arith.andi %eq3A_710, %ge3A_713 : vector<128x128xi1>
    %or3A_715 = arith.ori %or3A_707, %and3A_714 : vector<128x128xi1>
    %roll3A_716 = arith.constant 91 : i32
    %roll3A_717 = tpu.dynamic_rotate %get3A_1 by %roll3A_716 dim 1 : vector<128x128xi32>, i32 -> vector<128x128xi32>
    %eq3A_718 = arith.cmpi eq, %get3A_1, %roll3A_717 : vector<128x128xi32>
    %ge3A_719 = arith.constant 91 : i32
    %ge3A_720 = vector.broadcast %ge3A_719 : i32 to vector<128x128xi32>
    %ge3A_721 = arith.cmpi sge, %iota3A, %ge3A_720 : vector<128x128xi32>
    %and3A_722 = arith.andi %eq3A_718, %ge3A_721 : vector<128x128xi1>
    %or3A_723 = arith.ori %or3A_715, %and3A_722 : vector<128x128xi1>
    %roll3A_724 = arith.constant 92 : i32
    %roll3A_725 = tpu.dynamic_rotate %get3A_1 by %roll3A_724 dim 1 : vector<128x128xi32>, i32 -> vector<128x128xi32>
    %eq3A_726 = arith.cmpi eq, %get3A_1, %roll3A_725 : vector<128x128xi32>
    %ge3A_727 = arith.constant 92 : i32
    %ge3A_728 = vector.broadcast %ge3A_727 : i32 to vector<128x128xi32>
    %ge3A_729 = arith.cmpi sge, %iota3A, %ge3A_728 : vector<128x128xi32>
    %and3A_730 = arith.andi %eq3A_726, %ge3A_729 : vector<128x128xi1>
    %or3A_731 = arith.ori %or3A_723, %and3A_730 : vector<128x128xi1>
    %roll3A_732 = arith.constant 93 : i32
    %roll3A_733 = tpu.dynamic_rotate %get3A_1 by %roll3A_732 dim 1 : vector<128x128xi32>, i32 -> vector<128x128xi32>
    %eq3A_734 = arith.cmpi eq, %get3A_1, %roll3A_733 : vector<128x128xi32>
    %ge3A_735 = arith.constant 93 : i32
    %ge3A_736 = vector.broadcast %ge3A_735 : i32 to vector<128x128xi32>
    %ge3A_737 = arith.cmpi sge, %iota3A, %ge3A_736 : vector<128x128xi32>
    %and3A_738 = arith.andi %eq3A_734, %ge3A_737 : vector<128x128xi1>
    %or3A_739 = arith.ori %or3A_731, %and3A_738 : vector<128x128xi1>
    %roll3A_740 = arith.constant 94 : i32
    %roll3A_741 = tpu.dynamic_rotate %get3A_1 by %roll3A_740 dim 1 : vector<128x128xi32>, i32 -> vector<128x128xi32>
    %eq3A_742 = arith.cmpi eq, %get3A_1, %roll3A_741 : vector<128x128xi32>
    %ge3A_743 = arith.constant 94 : i32
    %ge3A_744 = vector.broadcast %ge3A_743 : i32 to vector<128x128xi32>
    %ge3A_745 = arith.cmpi sge, %iota3A, %ge3A_744 : vector<128x128xi32>
    %and3A_746 = arith.andi %eq3A_742, %ge3A_745 : vector<128x128xi1>
    %or3A_747 = arith.ori %or3A_739, %and3A_746 : vector<128x128xi1>
    %roll3A_748 = arith.constant 95 : i32
    %roll3A_749 = tpu.dynamic_rotate %get3A_1 by %roll3A_748 dim 1 : vector<128x128xi32>, i32 -> vector<128x128xi32>
    %eq3A_750 = arith.cmpi eq, %get3A_1, %roll3A_749 : vector<128x128xi32>
    %ge3A_751 = arith.constant 95 : i32
    %ge3A_752 = vector.broadcast %ge3A_751 : i32 to vector<128x128xi32>
    %ge3A_753 = arith.cmpi sge, %iota3A, %ge3A_752 : vector<128x128xi32>
    %and3A_754 = arith.andi %eq3A_750, %ge3A_753 : vector<128x128xi1>
    %or3A_755 = arith.ori %or3A_747, %and3A_754 : vector<128x128xi1>
    %roll3A_756 = arith.constant 96 : i32
    %roll3A_757 = tpu.dynamic_rotate %get3A_1 by %roll3A_756 dim 1 : vector<128x128xi32>, i32 -> vector<128x128xi32>
    %eq3A_758 = arith.cmpi eq, %get3A_1, %roll3A_757 : vector<128x128xi32>
    %ge3A_759 = arith.constant 96 : i32
    %ge3A_760 = vector.broadcast %ge3A_759 : i32 to vector<128x128xi32>
    %ge3A_761 = arith.cmpi sge, %iota3A, %ge3A_760 : vector<128x128xi32>
    %and3A_762 = arith.andi %eq3A_758, %ge3A_761 : vector<128x128xi1>
    %or3A_763 = arith.ori %or3A_755, %and3A_762 : vector<128x128xi1>
    %roll3A_764 = arith.constant 97 : i32
    %roll3A_765 = tpu.dynamic_rotate %get3A_1 by %roll3A_764 dim 1 : vector<128x128xi32>, i32 -> vector<128x128xi32>
    %eq3A_766 = arith.cmpi eq, %get3A_1, %roll3A_765 : vector<128x128xi32>
    %ge3A_767 = arith.constant 97 : i32
    %ge3A_768 = vector.broadcast %ge3A_767 : i32 to vector<128x128xi32>
    %ge3A_769 = arith.cmpi sge, %iota3A, %ge3A_768 : vector<128x128xi32>
    %and3A_770 = arith.andi %eq3A_766, %ge3A_769 : vector<128x128xi1>
    %or3A_771 = arith.ori %or3A_763, %and3A_770 : vector<128x128xi1>
    %roll3A_772 = arith.constant 98 : i32
    %roll3A_773 = tpu.dynamic_rotate %get3A_1 by %roll3A_772 dim 1 : vector<128x128xi32>, i32 -> vector<128x128xi32>
    %eq3A_774 = arith.cmpi eq, %get3A_1, %roll3A_773 : vector<128x128xi32>
    %ge3A_775 = arith.constant 98 : i32
    %ge3A_776 = vector.broadcast %ge3A_775 : i32 to vector<128x128xi32>
    %ge3A_777 = arith.cmpi sge, %iota3A, %ge3A_776 : vector<128x128xi32>
    %and3A_778 = arith.andi %eq3A_774, %ge3A_777 : vector<128x128xi1>
    %or3A_779 = arith.ori %or3A_771, %and3A_778 : vector<128x128xi1>
    %roll3A_780 = arith.constant 99 : i32
    %roll3A_781 = tpu.dynamic_rotate %get3A_1 by %roll3A_780 dim 1 : vector<128x128xi32>, i32 -> vector<128x128xi32>
    %eq3A_782 = arith.cmpi eq, %get3A_1, %roll3A_781 : vector<128x128xi32>
    %ge3A_783 = arith.constant 99 : i32
    %ge3A_784 = vector.broadcast %ge3A_783 : i32 to vector<128x128xi32>
    %ge3A_785 = arith.cmpi sge, %iota3A, %ge3A_784 : vector<128x128xi32>
    %and3A_786 = arith.andi %eq3A_782, %ge3A_785 : vector<128x128xi1>
    %or3A_787 = arith.ori %or3A_779, %and3A_786 : vector<128x128xi1>
    %not3A = arith.constant dense<true> : vector<128x128xi1>
    %not3A_788 = arith.xori %or3A_787, %not3A : vector<128x128xi1>
    %lt3A = arith.constant 100 : i32
    %lt3A_789 = vector.broadcast %lt3A : i32 to vector<128x128xi32>
    %lt3A_790 = arith.cmpi slt, %iota3A, %lt3A_789 : vector<128x128xi32>
    %and3A_791 = arith.andi %not3A_788, %lt3A_790 : vector<128x128xi1>
    %get3A_792 = arith.constant 0 : index
    %get3A_793 = arith.constant 0 : index
    %get3A_794 = vector.load %arg1[%get3A_792, %get3A_793] : memref<128x128xf32, #tpu.memory_space<vmem>>, vector<128x128xf32>
    %jit3A = arith.constant 0.000000e+00 : f32
    %broadcast_in_dim3A = vector.broadcast %jit3A : f32 to vector<128x128xf32>
    %select_n3A = arith.select %and3A_791, %get3A_794, %broadcast_in_dim3A : vector<128x128xi1>, vector<128x128xf32>
    %reduce_sum3A = vector.shape_cast %select_n3A : vector<128x128xf32> to vector<1x128x128xf32>
    %reduce_sum3A_795 = arith.constant dense<0.000000e+00> : vector<1xf32>
    %reduce_sum3A_796 = vector.multi_reduction <add>, %reduce_sum3A, %reduce_sum3A_795 [1, 2] : vector<1x128x128xf32> to vector<1xf32>
    %reduce_sum3A_797 = vector.shape_cast %reduce_sum3A_796 : vector<1xf32> to vector<1x1x1xf32>
    %reduce_sum3A_798 = vector.extract %reduce_sum3A_797[0, 0, 0] : f32 from vector<1x1x1xf32>
    %convert_element_type3A = arith.extui %and3A_791 : vector<128x128xi1> to vector<128x128xi32>
    %convert_element_type3A_799 = arith.sitofp %convert_element_type3A : vector<128x128xi32> to vector<128x128xf32>
    %reduce_sum3A_800 = arith.constant dense<0.000000e+00> : vector<128xf32>
    %reduce_sum3A_801 = vector.multi_reduction <add>, %convert_element_type3A_799, %reduce_sum3A_800 [1] : vector<128x128xf32> to vector<128xf32>
    %broadcast_in_dim3A_802 = vector.shape_cast %reduce_sum3A_801 : vector<128xf32> to vector<128x1xf32>
    %reduce_max3A = vector.shape_cast %broadcast_in_dim3A_802 : vector<128x1xf32> to vector<1x128x1xf32>
    %reduce_max3A_803 = arith.constant dense<0xFF800000> : vector<1xf32>
    %reduce_max3A_804 = vector.multi_reduction <maximumf>, %reduce_max3A, %reduce_max3A_803 [1, 2] : vector<1x128x1xf32> to vector<1xf32>
    %reduce_max3A_805 = vector.shape_cast %reduce_max3A_804 : vector<1xf32> to vector<1x1x1xf32>
    %reduce_max3A_806 = vector.extract %reduce_max3A_805[0, 0, 0] : f32 from vector<1x1x1xf32>
    %slice3A = vector.extract_strided_slice %get3A_794 {offsets = [0, 100], sizes = [128, 1], strides = [1, 1]} : vector<128x128xf32> to vector<128x1xf32>
    %sub3A = vector.broadcast %reduce_max3A_806 : f32 to vector<128x1xf32>
    %sub3A_807 = arith.subf %sub3A, %broadcast_in_dim3A_802 : vector<128x1xf32>
    %mul3A = arith.mulf %sub3A_807, %slice3A : vector<128x1xf32>
    %reduce_sum3A_808 = vector.shape_cast %mul3A : vector<128x1xf32> to vector<1x128x1xf32>
    %reduce_sum3A_809 = arith.constant dense<0.000000e+00> : vector<1xf32>
    %reduce_sum3A_810 = vector.multi_reduction <add>, %reduce_sum3A_808, %reduce_sum3A_809 [1, 2] : vector<1x128x1xf32> to vector<1xf32>
    %reduce_sum3A_811 = vector.shape_cast %reduce_sum3A_810 : vector<1xf32> to vector<1x1x1xf32>
    %reduce_sum3A_812 = vector.extract %reduce_sum3A_811[0, 0, 0] : f32 from vector<1x1x1xf32>
    %add3A = arith.addf %reduce_sum3A_798, %reduce_sum3A_812 : f32
    %neg3A = arith.constant 0.000000e+00 : f32
    %neg3A_813 = arith.subf %neg3A, %add3A : f32
    %mul3A_814 = arith.constant 1.280000e+02 : f32
    %mul3A_815 = arith.mulf %mul3A_814, %reduce_max3A_806 : f32
    %div3A = arith.divf %neg3A_813, %mul3A_815 : f32
    %broadcast_in_dim3A_816 = vector.broadcast %div3A : f32 to vector<1x1xf32>
    %swap3A = arith.constant 0 : index
    %swap3A_817 = arith.constant 0 : index
    %swap3A_818 = vector.load %arg2[%swap3A, %swap3A_817] : memref<1x1xf32, #tpu.memory_space<vmem>>, vector<1x1xf32>
    tpu.vector_store %arg2[%swap3A, %swap3A_817], %broadcast_in_dim3A_816 {strides = array<i32>} : memref<1x1xf32, #tpu.memory_space<vmem>>, vector<1x1xf32>,
    return
  }
}

</mosaic_0001>

<sc_bundles>
// kernel: kernel.4.cloned.1.call-start
scs
__scs_entry_jumppad:
0x0: {  	(pc) =	sbr.rel $0x88, $3  }
0x1: {  	(tag) =	ssettag $0x0;
	lr =	simm.s32 $0x1  }
0x2: {  	[smem:$0x3F9F] =	sst lr;
	_ =	strace $0xD0000000  }
0x3: {  	_ = 	snop  }
0x4: {  	_ = 	snop  }
0x5: {  	_ = 	snop  }
0x6: {  	_ = 	snop  }
0x7: {  	_ = 	snop  }
__scs_overlays_trampoline_lowered:
0x8: {  	[smem:$0x3FAE] =	sst s0  }
0x9: {  	[smem:$0x3FAF] =	sst s1  }
0xa: {  	[smem:$0x3FB0] =	sst s2  }
0xb: {  	[smem:$0x3FB1] =	sst s3  }
0xc: {  	[smem:$0x3FB2] =	sst s4  }
0xd: {  	[smem:$0x3FB3] =	sst s5  }
0xe: {  	[smem:$0x3FB4] =	sst s6  }
0xf: {  	[smem:$0x3FB5] =	sst s7  }
0x10: {  	[smem:$0x3FB6] =	sst s8  }
0x11: {  	[smem:$0x3FB7] =	sst s9;
	s0 =	simm.s32 @!p0 $0x0  }
0x12: {  	s1 =	sld [smem:$0x3F9D];
	s0 =	simm.s32 @p0 $0x1  }
0x13: {  	[smem:$0x3FB8] =	sst s0;
	s0 =	simm.s32 @!p1 $0x0  }
0x14: {  	s2 =	sld [smem:$0x3F9C];
	s0 =	simm.s32 @p1 $0x1  }
0x15: {  	[smem:$0x3FB9] =	sst s0;
	s0 =	simm.s32 @!p2 $0x0  }
0x16: {  	s3 =	sld [smem:$0x3FDB];
	s0 =	simm.s32 @p2 $0x1  }
0x17: {  	s4 =	simm.s32 $0x1BF5;
	[smem:$0x3FBB] =	sst s0  }
0x18: {  	s0 =	sld [smem:$0x3F9E];
	_ =	swait.ge [sflag:s4], $0x0  }
0x19: {  	s7 =	sld [smem:$0x3F9F]  }
0x1a: {  	s8 =	sadd.s32 $0xFFFFE003, lr  }
0x1b: {  	s9 =	sadd.s32 $0xFFFFFEF7, lr;
	s5 =	simm.s32 $0xFFFFFFFF;
	p2 =	slt.u32 s8, $0xFFFFF086  }
0x1c: {  	p1 =	slt.u32 s9, $0xF7A;
	s5 =	simm.s32 @!p2 $0x0  }
0x1d: {  	s5 =	simm.s32 @p1 $0x1;
	p0 =	seq.s32 s7, s2  }
0x1e: {  	s7 =	smul.u32 @!p0 $0xF7A, s2;
	p2 =	seq.s32 @!p0 s5, $0x0  }
0x1f: {  	s9 =	smul.u32 $0xF7A, s1;
	s8 =	simm.s32 @!p0 $0x1BF5;
	p2 =	por !p2, p0  }
0x20: {  	[sflag:s8] =	ssyncset.s32 @!p0 $0xFFFFF086;
	s6 =	sadd.s32 @!p0 s3, s7;
	s7 =	simm.s32 @!p0 $0x108  }
0x21: {  	s3 =	sadd.s32 s3, s9;
	s6 =	sadd.s32 @!p0 $0x88, s6;
	s7 =	simm.s32 @p2 $0x1082  }
0x22: {  	[simem:s7], [sflag:s8] =	dma.local @!p0 [hbm:s6], $0xF7A  }
0x23: {  	s9 =	sor.u32 $0xD0000000, s2;
	s6 =	simm.s32 $0x108;
	_ =	swait.ge @!p0 [sflag:s8], $0x0  }
0x24: {  	s3 =	sadd.s32 $0x88, s3;
	s6 =	simm.s32 @!p1 $0x1082;
	[sflag:s4] =	ssyncset.s32 $0xFFFFF086  }
0x25: {  	[simem:s6], [sflag:s4] =	dma.local [hbm:s3], $0xF7A  }
0x26: {  	[smem:$0x3F9F] =	sst s1;
	(tag) =	ssettag s2;
	_ =	strace s9  }
0x27: {  	s1 =	sld [smem:$0x3FAF]  }
0x28: {  	s2 =	sld [smem:$0x3FB0]  }
0x29: {  	s4 =	sld [smem:$0x3FB2]  }
0x2a: {  	p0 =	seq.s32 s5, $0x0;
	s5 =	sld [smem:$0x3FB3]  }
0x2b: {  	s6 =	sld [smem:$0x3FB4]  }
0x2c: {  	s7 =	sld [smem:$0x3FB5]  }
0x2d: {  	s3 =	simm.s32 $0x108;
	s8 =	sld [smem:$0x3FB6]  }
0x2e: {  	s3 =	simm.s32 @!p0 $0x1082;
	s9 =	sld [smem:$0x3FB7]  }
0x2f: {  	lr =	sadd.s32 s0, s3;
	s0 =	sld [smem:$0x3FAE]  }
0x30: {  	s3 =	sld [smem:$0x3FB1]  }
0x31: {  	[smem:$0x3FBA] =	sst s10  }
0x32: {  	s10 =	sld [smem:$0x3FB8];
	_ =	sdelay $0x3  }
0x33: {  	p0 =	seq.s32 s10, $0x1;
	s10 =	sld [smem:$0x3FBA];
	_ =	sdelay $0x3  }
0x34: {  	[smem:$0x3FBA] =	sst s10  }
0x35: {  	s10 =	sld [smem:$0x3FB9];
	_ =	sdelay $0x3  }
0x36: {  	p1 =	seq.s32 s10, $0x1;
	s10 =	sld [smem:$0x3FBA];
	_ =	sdelay $0x3  }
0x37: {  	[smem:$0x3FBA] =	sst s10  }
0x38: {  	s10 =	sld [smem:$0x3FBB]  }
0x39: {  	_ = 	snop;
	(pc) =	sbr.ind lr, $3  }
0x3a: {  	_ = 	snop  }
0x3b: {  	_ = 	snop  }
0x3c: {  	p2 =	seq.s32 s10, $0x1;
	s10 =	sld [smem:$0x3FBA]  }
0x3d: {  	_ =	shalt  }
0x3e: {  	_ =	shalt  }
0x3f: {  	_ =	shalt  }
0x40: {  	_ =	shalt  }
0x41: {  	_ =	shalt  }
0x42: {  	_ =	shalt  }
0x43: {  	_ =	shalt  }
0x44: {  	_ =	shalt  }
0x45: {  	_ =	shalt  }
0x46: {  	_ =	shalt  }
0x47: {  	_ =	shalt  }
0x48: {  	_ =	shalt  }
0x49: {  	_ =	shalt  }
0x4a: {  	_ =	shalt  }
0x4b: {  	_ =	shalt  }
0x4c: {  	_ =	shalt  }
0x4d: {  	_ =	shalt  }
0x4e: {  	_ =	shalt  }
0x4f: {  	_ =	shalt  }
0x50: {  	_ =	shalt  }
0x51: {  	_ =	shalt  }
0x52: {  	_ =	shalt  }
0x53: {  	_ =	shalt  }
0x54: {  	_ =	shalt  }
0x55: {  	_ =	shalt  }
0x56: {  	_ =	shalt  }
0x57: {  	_ =	shalt  }
0x58: {  	_ =	shalt  }
0x59: {  	_ =	shalt  }
0x5a: {  	_ =	shalt  }
0x5b: {  	_ =	shalt  }
0x5c: {  	_ =	shalt  }
0x5d: {  	_ =	shalt  }
0x5e: {  	_ =	shalt  }
0x5f: {  	_ =	shalt  }
0x60: {  	_ =	shalt  }
0x61: {  	_ =	shalt  }
0x62: {  	_ =	shalt  }
0x63: {  	_ =	shalt  }
0x64: {  	_ =	shalt  }
0x65: {  	_ =	shalt  }
0x66: {  	_ =	shalt  }
0x67: {  	_ =	shalt  }
0x68: {  	_ =	shalt  }
0x69: {  	_ =	shalt  }
0x6a: {  	_ =	shalt  }
0x6b: {  	_ =	shalt  }
0x6c: {  	_ =	shalt  }
0x6d: {  	_ =	shalt  }
0x6e: {  	_ =	shalt  }
0x6f: {  	_ =	shalt  }
0x70: {  	_ =	shalt  }
0x71: {  	_ =	shalt  }
0x72: {  	_ =	shalt  }
0x73: {  	_ =	shalt  }
0x74: {  	_ =	shalt  }
0x75: {  	_ =	shalt  }
0x76: {  	_ =	shalt  }
0x77: {  	_ =	shalt  }
0x78: {  	_ =	shalt  }
0x79: {  	_ =	shalt  }
0x7a: {  	_ =	shalt  }
0x7b: {  	_ =	shalt  }
0x7c: {  	_ =	shalt  }
0x7d: {  	_ =	shalt  }
0x7e: {  	_ =	shalt  }
0x7f: {  	_ =	shalt  }
0x80: {  	_ =	shalt  }
0x81: {  	_ =	shalt  }
0x82: {  	_ =	shalt  }
0x83: {  	_ =	shalt  }
0x84: {  	_ =	shalt  }
0x85: {  	_ =	shalt  }
0x86: {  	_ =	shalt  }
0x87: {  	_ =	shalt  }
.Lfunc_end0:
.L_simem_size_0:
called_computation_lowered:
.L_overlay_start_0:
0x88: {  	s2 =	sld [smem:$0x3FD9]  }
0x89: {  	s3 =	sld [smem:$0x3FFE];
	_ =	sdelay $0x1  }
0x8a: {  	s1 =	srdreg.scid  }
0x8b: {  	s0 =	sand.u32 $0x1, s1  }
0x8c: {  	s16 =	sshll.u32 s0, $0xA;
	s2 =	sadd.s32 s3, s2  }
0x8d: {  	s2 =	sadd.s32 s2, s16  }
0x8e: {  	[smem:$0x3FC6] =	sst s2  }
0x8f: {  	_ = 	snop  }
0x90: {  	(tm) =	ssettm $0x1  }
0x91: {  	s17 =	sld [smem:$0x3FFB];
	_ =	sdelay $0x3  }
0x92: {  	_ =	strace s17  }
0x93: {  	s2 =	sld [smem:$0x3FFC];
	_ =	sdelay $0x3  }
0x94: {  	_ =	strace s2  }
0x95: {  	s2 =	sld [smem:$0x3FFD];
	_ =	sdelay $0x3  }
0x96: {  	_ =	strace s2  }
0x97: {  	_ =	strace $0x8FFFFFFF  }
0x98: {  	s18 =	sld [smem:$0x3FDB];
	_ =	sdelay $0x1  }
0x99: {  	s19 =	simm.s32 $_scs_section_size  }
0x9a: {  	s4 =	simm.s32 $_size__tile_overlayer_lowered;
	s5 =	simm.s32 $_tile_overlayer_lowered  }
0x9b: {  	s22 =	simm.s32 $0x1BFF;
	s21 =	sshll.u32 s5, $0x1;
	s2 =	sadd.s32 s19, s18  }
0x9c: {  	s6 =	simm.s32 $0x0;
	s20 =	sshll.u32 s4, $0x1;
	s4 =	sadd.s32 s21, s2  }
0x9d: {  	[timem:s6], [sflag:s22] =	dma.local [hbm:s4], s20  }
0x9e: {  	_ =	swait.ge [sflag:s22], s20  }
0x9f: {  	s3 =	ssub.s32 $0x0, s20;
	[sflag:s22] =	ssyncset.done $0x0  }
0xa0: {  	[sflag:s22] =	ssyncadd.s32 s3;
	_ =	sdelay $0x1  }
0xa1: {  	s23 =	simm.s32 $0x1B8B  }
0xa2: {  	_ =	swait.ge [sflag:s23], $0x1  }
0xa3: {  	[sflag:s23] =	ssyncset.done $0x0  }
0xa4: {  	s25 =	simm.s32 $0x1B8E;
	s24 =	sld [smem:$0x3FFE];
	[sflag:s23] =	ssyncadd.s32 $0xFFFFFFFF  }
0xa5: {  	s26 =	simm.s32 $execute0_lowered;
	[smem:$0x3FD2] =	sst s25  }
0xa6: {  	s4 =	sshll.u32 s26, $0x1;
	_ =	strace $0x80000046;
	[dreg:$0x1] =	wrdreg $0xFFFFFFFF  }
0xa7: {  	s28 =	simm.s32 $_size_execute0_lowered;
	s2 =	sadd.s32 s2, s4;
	[dreg:$0x0] =	wrdreg $0x0  }
0xa8: {  	s4 =	sshll.u32 s28, $0x1;
	[dreg:$0x2] =	wrdreg s2  }
0xa9: {  	[dreg:$0x3] =	wrdreg s4  }
0xaa: {  	[dreg:$0x4] =	wrdreg $0xC0  }
0xab: {  	_ =	task [dreg:s6], $0x5FFFF  }
0xac: {  	[dreg:$0x1] =	wrdreg $0xFFFFFFFF  }
0xad: {  	[dreg:$0x0] =	wrdreg $0x60  }
0xae: {  	[dreg:$0x2] =	wrdreg s24  }
0xaf: {  	[dreg:$0x3] =	wrdreg $0x9  }
0xb0: {  	_ =	task.clear_ibuf [dreg:s6], $0x4FFFF;
	_ =	strace $0x90000046  }
0xb1: {  	s29 =	simm.s32 $0x9;
	_ =	strace $0x80000048  }
0xb2: {  	_ =	swait.ge [sflag:s29], $0x1  }
0xb3: {  	[sflag:s29] =	ssyncadd.s32 $0xFFFFFFFF  }
0xb4: {  	_ =	strace $0x90000048  }
0xb5: {  	_ =	sfence  }
0xb6: {  	s30 =	sld [smem:$0x0];
	_ =	sdelay $0x2  }
0xb7: {  	s31 =	sshll.u32 s1, $0xD;
	s1 =	sshrl.u32 s1, $0x2  }
0xb8: {  	s3 =	sand.u32 $0x4000, s31;
	s1 =	sadd.s32 s1, s30  }
0xb9: {  	s0 =	sor.u32 s3, s0;
	s1 =	sshll.u32 s1, $0x11  }
0xba: {  	s0 =	sor.u32 s1, s0  }
0xbb: {  	s0 =	sadd.s32 $0x8F2B, s0  }
0xbc: {  	[sflag:s0] =	ssyncadd.remote.s32 $0x1  }
0xbd: {  	_ =	sfence.sel $0xFFFF  }
0xbe: {  	[dreg:$0x0] =	wrdreg $0xFFFFFFFF;
	(pc) =	sbr.abs _section_cstart, $3  }
0xbf: {  	[dreg:$0x1] =	wrdreg $0xFFFFFFFF  }
0xc0: {  	_ =	task.clear_ibuf [dreg:s6], $0x2FFFF;
	_ =	strace $0x9FFFFFFF  }
0xc1: {  	(tm) =	ssettm $0x7FFFFFFF  }
tec
execute0_lowered:
.L_overlay_start_1:
0x0: {  	(tag) =	ssettag $0x1  }
0x1: {  	s3 =	rddreg [dreg:$0x0]  }
0x2: {  	s0 =	rddreg [dreg:$0x1]  }
0x3: {  	s2 =	simm.s32 $0x0;
	s4 =	srdreg.scid;
	s1 =	stileid.u32  }
0x4: {  	s11 =	simm.s32 $0x80;
	s12 =	simm.s32 $0x400;
	s13 =	simm.s32 $0x200  }
0x5: {  	s14 =	simm.s32 $0x18900;
	s4 =	sand.u32 $0x1, s4;
	s5 =	smul.u32 $0xC3800, s1  }
0x6: {  	[smem:$0x7FF] =	sst s2;
	s7 =	sshll.u32 s1, $0xA;
	s6 =	sshll.u32 s4, $0x9  }
0x7: {  	_ =	strace $0x80000047;
	s5 =	sor.u32 s6, s5;
	s6 =	sor.u32 s6, s7  }
0x8: {  	s4 =	ssub.s32 $0x2, s4;
	s5 =	sshrl.u32 s5, $0x3;
	s6 =	sshrl.u32 s6, $0x3  }
0x9: {  	s31 =	sshrl.u32 s4, $0x1;
	s8 =	sadd.s32 s5, s3;
	s9 =	sadd.s32 s6, s3  }
0xa: {  	s10 =	ssub.s32 s4, s31;
	s3 =	sadd.s32 $0x187800, s9;
	s4 =	sadd.s32 $0x800, s8  }
0xb: {  	s5 =	sadd.s32 $0x810, s8;
	s6 =	sadd.s32 $0x820, s8;
	s7 =	sadd.s32 $0x830, s8  }
0xc: {  	s8 =	sadd.s32 $0x188000, s9;
	s9 =	smax.u32 s10, $0x1;
	s10 =	simm.s32 $0x1  }
.LBB2_1:
0xd: {  	[tilespmem:s2], [sflag:$0x1] =	stream.linear.gather [hbm4b:s3+s2], $0x200, $0x38;
	[tilespmem:$0x18B00] =	vst v63  }
0xe: {  	_ =	swait.ge [sflag:s10], $0x200  }
0xf: {  	[sflag:s10] =	ssyncset.done $0x0  }
0x10: {  	[sflag:s10] =	ssyncadd.s32 $0xFFFFFE00  }
0x11: {  	[tilespmem:s13], [sflag:$0x1] =	stream.strided.gather [hbm4b:s4+s11], $0x18700, s12, s11, $0x38;
	[tilespmem:$0x18B00] =	vst v63  }
0x12: {  	_ =	swait.ge [sflag:s10], $0x18700  }
0x13: {  	[sflag:s10] =	ssyncset.done $0x0  }
0x14: {  	[sflag:s10] =	ssyncadd.s32 $0xFFFE7900  }
0x15: {  	v0 =	vld [tilespmem:$0x0];
	_ =	sdelay $0x5  }
0x16: {  	v1 =	vld [tilespmem:$0x10];
	_ =	sdelay $0x1  }
0x17: {  	v0 =	vld.idx.msk [tilespmem:v0+s13+$0x0], $0xffff;
	_ =	sdelay $0x3  }
0x18: {  	v2 =	vld [tilespmem:$0x20]  }
0x19: {  	[tilespmem:$0x18900] =	vst v0  }
0x1a: {  	v0 =	vld.idx.msk [tilespmem:v1+s13+$0x0], $0xffff;
	_ =	sdelay $0x3  }
0x1b: {  	v35 =	vld [tilespmem:$0x30]  }
0x1c: {  	[tilespmem:$0x18910] =	vst v0  }
0x1d: {  	v0 =	vld.idx.msk [tilespmem:v2+s13+$0x0], $0xffff;
	_ =	sdelay $0x3  }
0x1e: {  	v36 =	vld [tilespmem:$0x40]  }
0x1f: {  	[tilespmem:$0x18920] =	vst v0  }
0x20: {  	v0 =	vld.idx.msk [tilespmem:v35+s13+$0x0], $0xffff;
	_ =	sdelay $0x3  }
0x21: {  	v37 =	vld [tilespmem:$0x50]  }
0x22: {  	[tilespmem:$0x18930] =	vst v0  }
0x23: {  	v0 =	vld.idx.msk [tilespmem:v36+s13+$0x0], $0xffff;
	_ =	sdelay $0x3  }
0x24: {  	v38 =	vld [tilespmem:$0x60]  }
0x25: {  	[tilespmem:$0x18940] =	vst v0  }
0x26: {  	v0 =	vld.idx.msk [tilespmem:v37+s13+$0x0], $0xffff;
	_ =	sdelay $0x3  }
0x27: {  	v39 =	vld [tilespmem:$0x70]  }
0x28: {  	[tilespmem:$0x18950] =	vst v0  }
0x29: {  	v0 =	vld.idx.msk [tilespmem:v38+s13+$0x0], $0xffff;
	_ =	sdelay $0x4  }
0x2a: {  	[tilespmem:$0x18960] =	vst v0  }
0x2b: {  	v0 =	vld.idx.msk [tilespmem:v39+s13+$0x0], $0xffff;
	_ =	sdelay $0x4  }
0x2c: {  	[tilespmem:$0x18970] =	vst v0  }
0x2d: {  	[tilespmem:s13], [sflag:$0x1] =	stream.strided.gather [hbm4b:s5+s11], $0x18700, s12, s11, $0x38;
	[tilespmem:$0x18B00] =	vst v63  }
0x2e: {  	_ =	swait.ge [sflag:s10], $0x18700  }
0x2f: {  	[sflag:s10] =	ssyncset.done $0x0  }
0x30: {  	[sflag:s10] =	ssyncadd.s32 $0xFFFE7900  }
0x31: {  	v40 =	vld [tilespmem:$0x80];
	_ =	sdelay $0x5  }
0x32: {  	v41 =	vld [tilespmem:$0x90];
	_ =	sdelay $0x1  }
0x33: {  	v0 =	vld.idx.msk [tilespmem:v40+s13+$0x0], $0xffff;
	_ =	sdelay $0x3  }
0x34: {  	v42 =	vld [tilespmem:$0xA0]  }
0x35: {  	[tilespmem:$0x18980] =	vst v0  }
0x36: {  	v0 =	vld.idx.msk [tilespmem:v41+s13+$0x0], $0xffff;
	_ =	sdelay $0x3  }
0x37: {  	v43 =	vld [tilespmem:$0xB0]  }
0x38: {  	[tilespmem:$0x18990] =	vst v0  }
0x39: {  	v0 =	vld.idx.msk [tilespmem:v42+s13+$0x0], $0xffff;
	_ =	sdelay $0x3  }
0x3a: {  	v44 =	vld [tilespmem:$0xC0]  }
0x3b: {  	[tilespmem:$0x189A0] =	vst v0  }
0x3c: {  	v0 =	vld.idx.msk [tilespmem:v43+s13+$0x0], $0xffff;
	_ =	sdelay $0x3  }
0x3d: {  	v45 =	vld [tilespmem:$0xD0]  }
0x3e: {  	[tilespmem:$0x189B0] =	vst v0  }
0x3f: {  	v0 =	vld.idx.msk [tilespmem:v44+s13+$0x0], $0xffff;
	_ =	sdelay $0x3  }
0x40: {  	v46 =	vld [tilespmem:$0xE0]  }
0x41: {  	[tilespmem:$0x189C0] =	vst v0  }
0x42: {  	v0 =	vld.idx.msk [tilespmem:v45+s13+$0x0], $0xffff;
	_ =	sdelay $0x3  }
0x43: {  	v47 =	vld [tilespmem:$0xF0]  }
0x44: {  	[tilespmem:$0x189D0] =	vst v0  }
0x45: {  	v0 =	vld.idx.msk [tilespmem:v46+s13+$0x0], $0xffff;
	_ =	sdelay $0x4  }
0x46: {  	[tilespmem:$0x189E0] =	vst v0  }
0x47: {  	v0 =	vld.idx.msk [tilespmem:v47+s13+$0x0], $0xffff;
	_ =	sdelay $0x4  }
0x48: {  	[tilespmem:$0x189F0] =	vst v0  }
0x49: {  	[tilespmem:s13], [sflag:$0x1] =	stream.strided.gather [hbm4b:s6+s11], $0x18700, s12, s11, $0x38;
	[tilespmem:$0x18B00] =	vst v63  }
0x4a: {  	_ =	swait.ge [sflag:s10], $0x18700  }
0x4b: {  	[sflag:s10] =	ssyncset.done $0x0  }
0x4c: {  	[sflag:s10] =	ssyncadd.s32 $0xFFFE7900  }
0x4d: {  	v48 =	vld [tilespmem:$0x100];
	_ =	sdelay $0x5  }
0x4e: {  	v49 =	vld [tilespmem:$0x110];
	_ =	sdelay $0x1  }
0x4f: {  	v0 =	vld.idx.msk [tilespmem:v48+s13+$0x0], $0xffff;
	_ =	sdelay $0x3  }
0x50: {  	v50 =	vld [tilespmem:$0x120]  }
0x51: {  	[tilespmem:$0x18A00] =	vst v0  }
0x52: {  	v0 =	vld.idx.msk [tilespmem:v49+s13+$0x0], $0xffff;
	_ =	sdelay $0x3  }
0x53: {  	v51 =	vld [tilespmem:$0x130]  }
0x54: {  	[tilespmem:$0x18A10] =	vst v0  }
0x55: {  	v0 =	vld.idx.msk [tilespmem:v50+s13+$0x0], $0xffff;
	_ =	sdelay $0x3  }
0x56: {  	v52 =	vld [tilespmem:$0x140]  }
0x57: {  	[tilespmem:$0x18A20] =	vst v0  }
0x58: {  	v0 =	vld.idx.msk [tilespmem:v51+s13+$0x0], $0xffff;
	_ =	sdelay $0x3  }
0x59: {  	v53 =	vld [tilespmem:$0x150]  }
0x5a: {  	[tilespmem:$0x18A30] =	vst v0  }
0x5b: {  	v0 =	vld.idx.msk [tilespmem:v52+s13+$0x0], $0xffff;
	_ =	sdelay $0x3  }
0x5c: {  	v54 =	vld [tilespmem:$0x160]  }
0x5d: {  	[tilespmem:$0x18A40] =	vst v0  }
0x5e: {  	v0 =	vld.idx.msk [tilespmem:v53+s13+$0x0], $0xffff;
	_ =	sdelay $0x3  }
0x5f: {  	v55 =	vld [tilespmem:$0x170]  }
0x60: {  	[tilespmem:$0x18A50] =	vst v0  }
0x61: {  	v0 =	vld.idx.msk [tilespmem:v54+s13+$0x0], $0xffff;
	_ =	sdelay $0x4  }
0x62: {  	[tilespmem:$0x18A60] =	vst v0  }
0x63: {  	v0 =	vld.idx.msk [tilespmem:v55+s13+$0x0], $0xffff;
	_ =	sdelay $0x4  }
0x64: {  	[tilespmem:$0x18A70] =	vst v0  }
0x65: {  	[tilespmem:s13], [sflag:$0x1] =	stream.strided.gather [hbm4b:s7+s11], $0x18700, s12, s11, $0x38;
	[tilespmem:$0x18B00] =	vst v63  }
0x66: {  	_ =	swait.ge [sflag:s10], $0x18700  }
0x67: {  	[sflag:s10] =	ssyncset.done $0x0  }
0x68: {  	[sflag:s10] =	ssyncadd.s32 $0xFFFE7900  }
0x69: {  	v56 =	vld [tilespmem:$0x180];
	_ =	sdelay $0x5  }
0x6a: {  	v57 =	vld [tilespmem:$0x190];
	_ =	sdelay $0x1  }
0x6b: {  	v0 =	vld.idx.msk [tilespmem:v56+s13+$0x0], $0xffff;
	_ =	sdelay $0x3  }
0x6c: {  	v58 =	vld [tilespmem:$0x1A0]  }
0x6d: {  	[tilespmem:$0x18A80] =	vst v0  }
0x6e: {  	v0 =	vld.idx.msk [tilespmem:v57+s13+$0x0], $0xffff;
	_ =	sdelay $0x3  }
0x6f: {  	v59 =	vld [tilespmem:$0x1B0]  }
0x70: {  	[tilespmem:$0x18A90] =	vst v0  }
0x71: {  	v0 =	vld.idx.msk [tilespmem:v58+s13+$0x0], $0xffff;
	_ =	sdelay $0x3  }
0x72: {  	v60 =	vld [tilespmem:$0x1C0]  }
0x73: {  	[tilespmem:$0x18AA0] =	vst v0  }
0x74: {  	v0 =	vld.idx.msk [tilespmem:v59+s13+$0x0], $0xffff;
	_ =	sdelay $0x3  }
0x75: {  	v61 =	vld [tilespmem:$0x1D0]  }
0x76: {  	[tilespmem:$0x18AB0] =	vst v0  }
0x77: {  	v0 =	vld.idx.msk [tilespmem:v60+s13+$0x0], $0xffff;
	_ =	sdelay $0x3  }
0x78: {  	v62 =	vld [tilespmem:$0x1E0]  }
0x79: {  	[tilespmem:$0x18AC0] =	vst v0  }
0x7a: {  	v0 =	vld.idx.msk [tilespmem:v61+s13+$0x0], $0xffff;
	_ =	sdelay $0x3  }
0x7b: {  	v63 =	vld [tilespmem:$0x1F0]  }
0x7c: {  	[tilespmem:$0x18AD0] =	vst v0  }
0x7d: {  	v0 =	vld.idx.msk [tilespmem:v62+s13+$0x0], $0xffff;
	_ =	sdelay $0x4  }
0x7e: {  	[tilespmem:$0x18AE0] =	vst v0  }
0x7f: {  	v0 =	vld.idx.msk [tilespmem:v63+s13+$0x0], $0xffff;
	_ =	sdelay $0x3  }
0x80: {  	p0 =	sne.s32 s9, $0x1  }
.Ltmp0:
0x81: {  	[tilespmem:$0x18AF0] =	vst v0;
	(pc) =	sbr.rel @p0 .LBB2_1-.Ltmp0, $4  }
0x82: {  	[hbm4b:s8+s2] =	stream.linear.scatter [tilespmem:s14], [sflag:$0x1], $0x200, $0x38;
	[tilespmem:$0x18B00] =	vst v63  }
0x83: {  	_ =	swait.ge [sflag:s10], $0x200  }
0x84: {  	[sflag:s10] =	ssyncset.done $0x0  }
0x85: {  	s9 =	sadd.s32 $0xFFFFFFFF, s9;
	[sflag:s10] =	ssyncadd.s32 $0xFFFFFE00  }
0x86: {  	_ =	sfence.sel $0x180000  }
0x87: {  	[bflag:$0x0] =	sbarrier.arrive $0xFFFF  }
0x88: {  	p0 =	sne.s32 s1, $0x0;
	_ =	strace $0x90000047  }
0x89: {  	s0 =	sadd.s32 @!p0 $0x100000, s0;
	[bflag:$0x2] =	sbarrier.arrive $0xFFFF  }
0x8a: {  	[sflag:s0] =	ssyncadd.tile.s32 @!p0 $0x1;
	_ =	shalt  }
.Lfunc_end2:
_tile_overlayer_lowered:
.L_overlay_start_2:
0x8b: {  	(tag) =	ssettag $0x2  }
0x8c: {  	s0 =	rddreg [dreg:$0x0];
	s2 =	stileid.u32  }
0x8d: {  	s1 =	rddreg [dreg:$0x1];
	p0 =	sne.s32 s2, $0x0  }
0x8e: {  	s3 =	rddreg [dreg:$0x2];
	[bflag:$0x3] =	sbarrier.arrive $0xFFFF;
	s2 =	simm.s32 @!p0 $0x1C01  }
0x8f: {  	[timem:s3], [sflag:s2] =	dma.local @!p0 [hbm:s0], s1  }
0x90: {  	s0 =	simm.s32 @!p0 $0x1  }
0x91: {  	_ =	swait.ge @!p0 [sflag:s0], s1  }
0x92: {  	s1 =	ssub.s32 @!p0 $0x0, s1;
	[sflag:s0] =	ssyncset.done @!p0 $0x0  }
0x93: {  	[sflag:s0] =	ssyncadd.s32 @!p0 s1  }
0x94: {  	[bflag:$0x3] =	sbarrier.arrive $0xFFFF  }
0x95: {  	_ =	shalt  }

</sc_bundles>
